<compile_context>
chip_gen: v7x
topology: tpu7x:2x2x1
jax: 0.10.2.dev20260603
libtpu: 0.0.44.dev20260713+nightly
codegen_flags: <defaults>
</compile_context>

<pallas_src>
import functools

import jax
import jax.numpy as jnp
import numpy as np
from jax import lax
from jax.experimental import pallas as pl
from jax.experimental.pallas import tpu as pltpu
from jax.experimental.pallas import tpu_sc as plsc

N = 10000
D = 128
NC = 2
NS = 16
K = 128

RPT = 632
NACC = NS * RPT
DEGW = 128

_R0 = np.int32(0)
_R1 = np.int32(1)

_mesh = plsc.VectorSubcoreMesh(core_axis_name="c", subcore_axis_name="s")


def _make_deg_kernel(chunks):

    @functools.partial(
        pl.kernel,
        out_type=jax.ShapeDtypeStruct((NC, NACC, DEGW), jnp.float32),
        mesh=_mesh,
        scratch_types=[
            [pltpu.VMEM((2, K), jnp.int32) for _ in range(4)],
            pltpu.VMEM((K, DEGW), jnp.float32),
            pltpu.VMEM_SHARED((NACC, DEGW), jnp.float32),
            [pltpu.SemaphoreType.DMA for _ in range(4)],
            [pltpu.SemaphoreType.DMA for _ in range(2)],
        ],
    )
    def deg_kernel(eidx_hbm, zeros_hbm, ones_hbm, out_hbm,
                   eidx, ones_v, acc_s, isem, ssem):
        cid = lax.axis_index("c")
        sid = lax.axis_index("s")
        wid = cid * NS + sid
        pltpu.sync_copy(zeros_hbm.at[pl.ds(sid * RPT, RPT)],
                        acc_s.at[pl.ds(sid * RPT, RPT)])
        pltpu.sync_copy(ones_hbm, ones_v)
        plsc.subcore_barrier()
        base = wid * jnp.int32(chunks)

        def fire_idx(ib, c):
            pltpu.async_copy(eidx_hbm.at[c], eidx[ib], isem[ib])

        def wait_idx(ib):
            pltpu.make_async_copy(eidx_hbm.at[base], eidx[ib],
                                  isem[ib]).wait()

        def fire_scatter(ib, sb):
            pltpu.async_copy(ones_v, acc_s.at[eidx[ib].at[_R1]], ssem[sb],
                             add=True)

        def wait_scatter(ib, sb):
            pltpu.make_async_copy(ones_v, acc_s.at[eidx[ib].at[_R1]],
                                  ssem[sb]).wait()

        def process(c, ib, sb, first):
            if not first:
                wait_scatter((ib + 2) % 4, sb)
            fire_idx((ib + 2) % 4, c + 2)
            wait_idx(ib)
            fire_scatter(ib, sb)

        fire_idx(0, base)
        fire_idx(1, base + 1)
        for t in range(4):
            process(base + t, t, t % 2, t < 2)

        @pl.loop(jnp.int32(4), jnp.int32(chunks), step=jnp.int32(4))
        def _quad(j):
            c = base + j
            for t in range(4):
                process(c + t, t, t % 2, False)

        wait_scatter(2, 0)
        wait_scatter(3, 1)
        wait_idx(0)
        wait_idx(1)
        plsc.subcore_barrier()
        pltpu.sync_copy(acc_s.at[pl.ds(sid * RPT, RPT)],
                        out_hbm.at[cid, pl.ds(sid * RPT, RPT)])

    return deg_kernel


def _make_scatter_kernel(ch0, ch1):

    @functools.partial(
        pl.kernel,
        out_type=jax.ShapeDtypeStruct((NC, NACC, D), jnp.float32),
        mesh=_mesh,
        scratch_types=[
            [pltpu.VMEM((2, K), jnp.int32) for _ in range(4)],
            [pltpu.VMEM((K, D), jnp.float32) for _ in range(2)],
            pltpu.VMEM_SHARED((NACC, D), jnp.float32),
            [pltpu.SemaphoreType.DMA for _ in range(4)],
            [pltpu.SemaphoreType.DMA for _ in range(2)],
            [pltpu.SemaphoreType.DMA for _ in range(2)],
        ],
    )
    def scatter_kernel(g_hbm, eidx_hbm, zeros_hbm, out_hbm,
                       eidx, rows, acc_s, isem, gsem, ssem):
        cid = lax.axis_index("c")
        sid = lax.axis_index("s")
        base = sid * jnp.int32(ch0)

        def fire_idx(t, c):
            ib = t % 4
            pltpu.async_copy(eidx_hbm.at[c], eidx[ib], isem[ib])

        def wait_idx(t):
            ib = t % 4
            pltpu.make_async_copy(eidx_hbm.at[base], eidx[ib],
                                  isem[ib]).wait()

        def fire_gather(t):
            ib, rb = t % 4, t % 2
            pltpu.async_copy(g_hbm.at[eidx[ib].at[_R0]], rows[rb], gsem[rb])

        def wait_gather(t):
            ib, rb = t % 4, t % 2
            pltpu.make_async_copy(g_hbm.at[eidx[ib].at[_R0]], rows[rb],
                                  gsem[rb]).wait()

        def fire_scatter(t):
            ib, rb = t % 4, t % 2
            pltpu.async_copy(rows[rb], acc_s.at[eidx[ib].at[_R1]], ssem[rb],
                             add=True)

        def wait_scatter(t):
            ib, rb = t % 4, t % 2
            pltpu.make_async_copy(rows[rb], acc_s.at[eidx[ib].at[_R1]],
                                  ssem[rb]).wait()

        def process(c, t, first):
            if t >= 2 or not first:
                wait_scatter(t - 2)
            fire_idx(t + 2, c + 2)
            wait_idx(t)
            fire_gather(t)
            if t >= 1 or not first:
                wait_gather(t - 1)
                fire_scatter(t - 1)

        pltpu.sync_copy(zeros_hbm.at[pl.ds(sid * RPT, RPT)],
                        acc_s.at[pl.ds(sid * RPT, RPT)])
        plsc.subcore_barrier()

        nch = jnp.where(cid == 0, jnp.int32(ch0), jnp.int32(ch1))
        cbase = jnp.where(cid == 0, sid * jnp.int32(ch0),
                          jnp.int32(NS * ch0) + sid * jnp.int32(ch1))

        @pl.loop(jnp.int32(0), nch)
        def _chunk(j):
            c = cbase.astype(jnp.int32) + j
            pltpu.async_copy(eidx_hbm.at[c], eidx[0], isem[0]).wait()
            pltpu.async_copy(g_hbm.at[eidx[0].at[_R0]], rows[0],
                             gsem[0]).wait()
            pltpu.sync_copy(rows[0], acc_s.at[eidx[0].at[_R1]],
                            add=True)

        plsc.subcore_barrier()
        pltpu.sync_copy(acc_s.at[pl.ds(sid * RPT, RPT)],
                        out_hbm.at[cid, pl.ds(sid * RPT, RPT)])

    return scatter_kernel



_RB = 1000


def _dinv_of(deg_ref):
    deg = deg_ref[0, :, 0:1] + deg_ref[1, :, 0:1] + 1.0
    return lax.rsqrt(deg)


def _tc1_body(x_ref, w_ref, deg_ref, o_ref):
    dinv = _dinv_of(deg_ref)
    h = jnp.dot(x_ref[...], w_ref[...], preferred_element_type=jnp.float32)
    o_ref[...] = h * dinv


def _tc2_body(g_ref, acc_ref, deg_ref, b_ref, w_ref, o_ref):
    dinv = _dinv_of(deg_ref)
    s = g_ref[...] + acc_ref[0] + acc_ref[1]
    z = jnp.maximum(dinv * s + b_ref[...], 0.0)
    h = jnp.dot(z, w_ref[...], preferred_element_type=jnp.float32)
    o_ref[...] = h * dinv


def _tc3_body(g_ref, acc_ref, deg_ref, b_ref, o_ref):
    dinv = _dinv_of(deg_ref)
    s = g_ref[...] + acc_ref[0] + acc_ref[1]
    o_ref[...] = dinv * s + b_ref[...]


_i0 = np.int32(0)
_row_spec = pl.BlockSpec((_RB, D), lambda i: (i, _i0))
_acc_spec = pl.BlockSpec((NC, _RB, D), lambda i: (_i0, i, _i0))
_deg_spec = pl.BlockSpec((NC, _RB, DEGW), lambda i: (_i0, i, _i0))
_w_spec = pl.BlockSpec((D, D), lambda i: (_i0, _i0))
_b_spec = pl.BlockSpec((1, D), lambda i: (_i0, _i0))
_grid = (N // _RB,)

_tc1 = pl.pallas_call(
    _tc1_body, grid=_grid,
    in_specs=[_row_spec, _w_spec, _deg_spec],
    out_specs=_row_spec,
    out_shape=jax.ShapeDtypeStruct((N, D), jnp.float32))

_tc2 = pl.pallas_call(
    _tc2_body, grid=_grid,
    in_specs=[_row_spec, _acc_spec, _deg_spec, _b_spec, _w_spec],
    out_specs=_row_spec,
    out_shape=jax.ShapeDtypeStruct((N, D), jnp.float32))

_tc3 = pl.pallas_call(
    _tc3_body, grid=_grid,
    in_specs=[_row_spec, _acc_spec, _deg_spec, _b_spec],
    out_specs=_row_spec,
    out_shape=jax.ShapeDtypeStruct((N, D), jnp.float32))


def kernel(x, edge_index, W1, b1, W2, b2):
    E = edge_index.shape[1]
    chunks = -(-E // (NC * NS * K))
    chunks = (chunks + 3) // 4 * 4
    totch = NC * NS * chunks
    epad = totch * K - E
    per_sc = NC * chunks
    ch0 = max(8, min(per_sc - 4, int(round(per_sc * 0.625 / 4)) * 4))
    ch1 = per_sc - ch0

    src = edge_index[0].astype(jnp.int32)
    dst = edge_index[1].astype(jnp.int32)
    if epad:
        src = jnp.concatenate([src, jnp.zeros((epad,), jnp.int32)])
        dst = jnp.concatenate([dst, jnp.full((epad,), N, jnp.int32)])
    eidx = jnp.stack([src.reshape(totch, K), dst.reshape(totch, K)], axis=1)
    pad_chunk = jnp.tile(
        jnp.stack([jnp.zeros((1, K), jnp.int32),
                   jnp.full((1, K), N, jnp.int32)], axis=1), (4, 1, 1))
    eidx = jnp.concatenate([eidx, pad_chunk], axis=0)

    zeros_acc = jnp.zeros((NACC, D), jnp.float32)
    ones_deg = jnp.ones((K, DEGW), jnp.float32)

    deg_k = _make_deg_kernel(chunks)
    scat_k = _make_scatter_kernel(ch0, ch1)

    deg = deg_k(eidx, zeros_acc, ones_deg)

    b1r = b1.reshape(1, D).astype(jnp.float32)
    b2r = b2.reshape(1, D).astype(jnp.float32)

    g1 = _tc1(x, W1, deg)
    acc1 = scat_k(g1, eidx, zeros_acc)
    g2 = _tc2(g1, acc1, deg, b1r, W2)
    acc2 = scat_k(g2, eidx, zeros_acc)
    out = _tc3(g2, acc2, deg, b2r)
    return out

# --- scband reference (transcript-rebuilt; emitter-appended) ---
"""Pipeline reference for scband-gcn-28501402976665 (READ-ONLY COPY).

The authoritative reference and input builder live on the scoring server;
editing this copy changes nothing except your own understanding.
"""

import jax
jax.config.update('jax_enable_x64', True)
import jax.numpy as jnp
import numpy as np

N = 10000
E = 320000
D = 128


def _gcn_conv(x, src, dst, W, b):
    n = x.shape[0]
    h = x @ W
    deg = jnp.zeros((n,), dtype=h.dtype).at[dst].add(1.0)
    dinv = jnp.where(deg > 0, 1.0 / jnp.sqrt(deg), 0.0)
    norm = dinv[src] * dinv[dst]
    msg = h[src] * norm[:, None]
    out = jnp.zeros_like(h).at[dst].add(msg)
    return out + b


def setup_inputs(seed: int = 0) -> dict:
    key = jax.random.key(seed)
    k1, k2, k3, k4, k5, k6 = jax.random.split(key, 6)
    x = jax.random.normal(k1, (N, D), dtype=jnp.float32)
    edge_index = jax.random.randint(k2, (2, E), 0, N, dtype=jnp.int64)
    glorot = float(np.sqrt(6.0 / (D + D)))
    W1 = jax.random.uniform(k3, (D, D), dtype=jnp.float32, minval=-glorot, maxval=glorot)
    b1 = jnp.zeros((D,), dtype=jnp.float32)
    W2 = jax.random.uniform(k4, (D, D), dtype=jnp.float32, minval=-glorot, maxval=glorot)
    b2 = jnp.zeros((D,), dtype=jnp.float32)
    return {"x": x, "edge_index": edge_index, "W1": W1, "b1": b1, "W2": W2, "b2": b2}


def reference(x, edge_index, W1, b1, W2, b2):
    n = x.shape[0]
    loop = jnp.arange(n, dtype=edge_index.dtype)
    src = jnp.concatenate([edge_index[0], loop])
    dst = jnp.concatenate([edge_index[1], loop])
    h = _gcn_conv(x, src, dst, W1, b1)
    h = jax.nn.relu(h)
    out = _gcn_conv(h, src, dst, W2, b2)
    return out

if __name__ == "__main__":
    import jax
    _d = setup_inputs()
    print(jax.jit(kernel)(*tuple(_d.values())))

</pallas_src>

<mosaic_0001>
#map = affine_map<(d0, d1) -> (0, 0, 0)>
#map1 = affine_map<(d0, d1) -> (0, 0)>
module attributes {stable_mosaic.version = 14 : i64} {
  func.func @deg_kernel(%arg0: i32, %arg1: i32, %arg2: memref<2564x2x128xi32, #tpu.memory_space<hbm>>, %arg3: memref<10112x128xf32, #tpu.memory_space<hbm>>, %arg4: memref<128x128xf32, #tpu.memory_space<hbm>>, %arg5: memref<2x10112x128xf32, #tpu.memory_space<hbm>>, %arg6: memref<2x128xi32, #tpu.memory_space<vmem>>, %arg7: memref<2x128xi32, #tpu.memory_space<vmem>>, %arg8: memref<2x128xi32, #tpu.memory_space<vmem>>, %arg9: memref<2x128xi32, #tpu.memory_space<vmem>>, %arg10: memref<128x128xf32, #tpu.memory_space<vmem>>, %arg11: memref<10112x128xf32, #tpu.memory_space<vmem_shared>>, %arg12: memref<!tpu.dma_semaphore, #tpu.memory_space<semaphore_mem>>, %arg13: memref<!tpu.dma_semaphore, #tpu.memory_space<semaphore_mem>>, %arg14: memref<!tpu.dma_semaphore, #tpu.memory_space<semaphore_mem>>, %arg15: memref<!tpu.dma_semaphore, #tpu.memory_space<semaphore_mem>>, %arg16: memref<!tpu.dma_semaphore, #tpu.memory_space<semaphore_mem>>, %arg17: memref<!tpu.dma_semaphore, #tpu.memory_space<semaphore_mem>>) attributes {dimension_semantics = [#tpu.dimension_semantics<core_parallel>, #tpu.dimension_semantics<subcore_parallel>], iteration_bounds = array<i64: 2, 16>, scalar_prefetch = 0 : i64, scratch_operands = 12 : i64, tpu.core_type = #tpu.core_type<sc_vector_subcore>, window_params = [{transform_indices = #map}, {transform_indices = #map1}, {transform_indices = #map1}, {transform_indices = #map}]} {
    %mul3A = arith.constant 16 : i32
    %mul3A_0 = arith.muli %arg0, %mul3A : i32
    %add3A = arith.addi %mul3A_0, %arg1 : i32
    %mul3A_1 = arith.constant 632 : i32
    %mul3A_2 = arith.muli %arg1, %mul3A_1 : i32
    %mul3A_3 = arith.constant 632 : i32
    %mul3A_4 = arith.muli %arg1, %mul3A_3 : i32
    "tpu.region"() ({
      %run_scoped3A = tpu.sem_alloc : memref<!tpu.dma_semaphore, #tpu.memory_space<semaphore_mem>>
      %dma_start3A_197 = arith.constant 0 : i32
      %dma_start3A_198 = tpu.memref_slice %arg11[%mul3A_4, %dma_start3A_197] : memref<10112x128xf32, #tpu.memory_space<vmem_shared>> -> memref<632x128xf32, #tpu.memory_space<vmem_shared>>
      %dma_start3A_199 = arith.constant 0 : i32
      %dma_start3A_200 = tpu.memref_slice %arg3[%mul3A_2, %dma_start3A_199] : memref<10112x128xf32, #tpu.memory_space<hbm>> -> memref<632x128xf32, #tpu.memory_space<hbm>>
      tpu.enqueue_dma source(%dma_start3A_200 : memref<632x128xf32, #tpu.memory_space<hbm>>) target(%dma_start3A_198 : memref<632x128xf32, #tpu.memory_space<vmem_shared>>) target_semaphore(%run_scoped3A : memref<!tpu.dma_semaphore, #tpu.memory_space<semaphore_mem>>)
      %dma_wait3A_201 = arith.constant 0 : i32
      %dma_wait3A_202 = tpu.memref_slice %arg11[%mul3A_4, %dma_wait3A_201] : memref<10112x128xf32, #tpu.memory_space<vmem_shared>> -> memref<632x128xf32, #tpu.memory_space<vmem_shared>>
      %dma_wait3A_203 = arith.constant 0 : i32
      %dma_wait3A_204 = tpu.memref_slice %arg3[%mul3A_2, %dma_wait3A_203] : memref<10112x128xf32, #tpu.memory_space<hbm>> -> memref<632x128xf32, #tpu.memory_space<hbm>>
      tpu.wait_dma2 semaphore(%run_scoped3A : memref<!tpu.dma_semaphore, #tpu.memory_space<semaphore_mem>>) src(%dma_wait3A_204 : memref<632x128xf32, #tpu.memory_space<hbm>>) dst(%dma_wait3A_202 : memref<632x128xf32, #tpu.memory_space<vmem_shared>>)
      tpu.yield
    }) : () -> ()
    "tpu.region"() ({
      %run_scoped3A = tpu.sem_alloc : memref<!tpu.dma_semaphore, #tpu.memory_space<semaphore_mem>>
      tpu.enqueue_dma source(%arg4 : memref<128x128xf32, #tpu.memory_space<hbm>>) target(%arg10 : memref<128x128xf32, #tpu.memory_space<vmem>>) target_semaphore(%run_scoped3A : memref<!tpu.dma_semaphore, #tpu.memory_space<semaphore_mem>>)
      tpu.wait_dma2 semaphore(%run_scoped3A : memref<!tpu.dma_semaphore, #tpu.memory_space<semaphore_mem>>) src(%arg4 : memref<128x128xf32, #tpu.memory_space<hbm>>) dst(%arg10 : memref<128x128xf32, #tpu.memory_space<vmem>>)
      tpu.yield
    }) : () -> ()
    %barrier3A = arith.constant 0 : index
    tpu.barrier barrier_id(%barrier3A)
    %mul3A_5 = arith.constant 80 : i32
    %mul3A_6 = arith.muli %add3A, %mul3A_5 : i32
    %dma_start3A = arith.constant 0 : i32
    %dma_start3A_7 = arith.constant 0 : i32
    %dma_start3A_8 = tpu.memref_slice %arg2[%mul3A_6, %dma_start3A, %dma_start3A_7] : memref<2564x2x128xi32, #tpu.memory_space<hbm>> -> memref<1x2x128xi32, #tpu.memory_space<hbm>>
    %dma_start3A_9 = tpu.memref_squeeze %dma_start3A_8 : memref<1x2x128xi32, #tpu.memory_space<hbm>> -> memref<2x128xi32, #tpu.memory_space<hbm>>
    %dma_start3A_10 = arith.constant 0 : i32
    %dma_start3A_11 = arith.constant 0 : i32
    %dma_start3A_12 = tpu.memref_slice %arg2[%mul3A_6, %dma_start3A_10, %dma_start3A_11] : memref<2564x2x128xi32, #tpu.memory_space<hbm>> -> memref<1x2x128xi32, #tpu.memory_space<hbm>>
    %dma_start3A_13 = tpu.memref_squeeze %dma_start3A_12 : memref<1x2x128xi32, #tpu.memory_space<hbm>> -> memref<2x128xi32, #tpu.memory_space<hbm>>
    tpu.enqueue_dma source(%dma_start3A_13 : memref<2x128xi32, #tpu.memory_space<hbm>>) target(%arg6 : memref<2x128xi32, #tpu.memory_space<vmem>>) target_semaphore(%arg12 : memref<!tpu.dma_semaphore, #tpu.memory_space<semaphore_mem>>)
    %add3A_14 = arith.constant 1 : i32
    %add3A_15 = arith.addi %mul3A_6, %add3A_14 : i32
    %dma_start3A_16 = arith.constant 0 : i32
    %dma_start3A_17 = arith.constant 0 : i32
    %dma_start3A_18 = tpu.memref_slice %arg2[%add3A_15, %dma_start3A_16, %dma_start3A_17] : memref<2564x2x128xi32, #tpu.memory_space<hbm>> -> memref<1x2x128xi32, #tpu.memory_space<hbm>>
    %dma_start3A_19 = tpu.memref_squeeze %dma_start3A_18 : memref<1x2x128xi32, #tpu.memory_space<hbm>> -> memref<2x128xi32, #tpu.memory_space<hbm>>
    %dma_start3A_20 = arith.constant 0 : i32
    %dma_start3A_21 = arith.constant 0 : i32
    %dma_start3A_22 = tpu.memref_slice %arg2[%add3A_15, %dma_start3A_20, %dma_start3A_21] : memref<2564x2x128xi32, #tpu.memory_space<hbm>> -> memref<1x2x128xi32, #tpu.memory_space<hbm>>
    %dma_start3A_23 = tpu.memref_squeeze %dma_start3A_22 : memref<1x2x128xi32, #tpu.memory_space<hbm>> -> memref<2x128xi32, #tpu.memory_space<hbm>>
    tpu.enqueue_dma source(%dma_start3A_23 : memref<2x128xi32, #tpu.memory_space<hbm>>) target(%arg7 : memref<2x128xi32, #tpu.memory_space<vmem>>) target_semaphore(%arg13 : memref<!tpu.dma_semaphore, #tpu.memory_space<semaphore_mem>>)
    %add3A_24 = arith.constant 0 : i32
    %add3A_25 = arith.addi %mul3A_6, %add3A_24 : i32
    %add3A_26 = arith.constant 2 : i32
    %add3A_27 = arith.addi %add3A_25, %add3A_26 : i32
    %dma_start3A_28 = arith.constant 0 : i32
    %dma_start3A_29 = arith.constant 0 : i32
    %dma_start3A_30 = tpu.memref_slice %arg2[%add3A_27, %dma_start3A_28, %dma_start3A_29] : memref<2564x2x128xi32, #tpu.memory_space<hbm>> -> memref<1x2x128xi32, #tpu.memory_space<hbm>>
    %dma_start3A_31 = tpu.memref_squeeze %dma_start3A_30 : memref<1x2x128xi32, #tpu.memory_space<hbm>> -> memref<2x128xi32, #tpu.memory_space<hbm>>
    %dma_start3A_32 = arith.constant 0 : i32
    %dma_start3A_33 = arith.constant 0 : i32
    %dma_start3A_34 = tpu.memref_slice %arg2[%add3A_27, %dma_start3A_32, %dma_start3A_33] : memref<2564x2x128xi32, #tpu.memory_space<hbm>> -> memref<1x2x128xi32, #tpu.memory_space<hbm>>
    %dma_start3A_35 = tpu.memref_squeeze %dma_start3A_34 : memref<1x2x128xi32, #tpu.memory_space<hbm>> -> memref<2x128xi32, #tpu.memory_space<hbm>>
    tpu.enqueue_dma source(%dma_start3A_35 : memref<2x128xi32, #tpu.memory_space<hbm>>) target(%arg8 : memref<2x128xi32, #tpu.memory_space<vmem>>) target_semaphore(%arg14 : memref<!tpu.dma_semaphore, #tpu.memory_space<semaphore_mem>>)
    %dma_wait3A = arith.constant 0 : i32
    %dma_wait3A_36 = arith.constant 0 : i32
    %dma_wait3A_37 = tpu.memref_slice %arg2[%mul3A_6, %dma_wait3A, %dma_wait3A_36] : memref<2564x2x128xi32, #tpu.memory_space<hbm>> -> memref<1x2x128xi32, #tpu.memory_space<hbm>>
    %dma_wait3A_38 = tpu.memref_squeeze %dma_wait3A_37 : memref<1x2x128xi32, #tpu.memory_space<hbm>> -> memref<2x128xi32, #tpu.memory_space<hbm>>
    %dma_wait3A_39 = arith.constant 0 : i32
    %dma_wait3A_40 = arith.constant 0 : i32
    %dma_wait3A_41 = tpu.memref_slice %arg2[%mul3A_6, %dma_wait3A_39, %dma_wait3A_40] : memref<2564x2x128xi32, #tpu.memory_space<hbm>> -> memref<1x2x128xi32, #tpu.memory_space<hbm>>
    %dma_wait3A_42 = tpu.memref_squeeze %dma_wait3A_41 : memref<1x2x128xi32, #tpu.memory_space<hbm>> -> memref<2x128xi32, #tpu.memory_space<hbm>>
    tpu.wait_dma2 semaphore(%arg12 : memref<!tpu.dma_semaphore, #tpu.memory_space<semaphore_mem>>) src(%dma_wait3A_42 : memref<2x128xi32, #tpu.memory_space<hbm>>) dst(%arg6 : memref<2x128xi32, #tpu.memory_space<vmem>>)
    %dma_start3A_43 = arith.constant 1 : i32
    %dma_start3A_44 = arith.constant 0 : i32
    %dma_start3A_45 = tpu.memref_slice %arg6[%dma_start3A_43, %dma_start3A_44] : memref<2x128xi32, #tpu.memory_space<vmem>> -> memref<1x128xi32, #tpu.memory_space<vmem>>
    %dma_start3A_46 = tpu.memref_squeeze %dma_start3A_45 : memref<1x128xi32, #tpu.memory_space<vmem>> -> memref<128xi32, #tpu.memory_space<vmem>>
    %dma_start3A_47 = arith.constant 0 : i32
    %dma_start3A_48 = arith.constant 0 : i32
    %dma_start3A_49 = tpu.memref_slice %arg11[%dma_start3A_47, %dma_start3A_48] : memref<10112x128xf32, #tpu.memory_space<vmem_shared>> -> memref<10112x128xf32, #tpu.memory_space<vmem_shared>>
    tpu.enqueue_indirect_dma source(%arg10 : memref<128x128xf32, #tpu.memory_space<vmem>>) target(%dma_start3A_49 : memref<10112x128xf32, #tpu.memory_space<vmem_shared>>) offsets(%dma_start3A_46 : memref<128xi32, #tpu.memory_space<vmem>>) semaphore(%arg16 : memref<!tpu.dma_semaphore, #tpu.memory_space<semaphore_mem>>) {add = true}
    %add3A_50 = arith.constant 1 : i32
    %add3A_51 = arith.addi %mul3A_6, %add3A_50 : i32
    %add3A_52 = arith.constant 2 : i32
    %add3A_53 = arith.addi %add3A_51, %add3A_52 : i32
    %dma_start3A_54 = arith.constant 0 : i32
    %dma_start3A_55 = arith.constant 0 : i32
    %dma_start3A_56 = tpu.memref_slice %arg2[%add3A_53, %dma_start3A_54, %dma_start3A_55] : memref<2564x2x128xi32, #tpu.memory_space<hbm>> -> memref<1x2x128xi32, #tpu.memory_space<hbm>>
    %dma_start3A_57 = tpu.memref_squeeze %dma_start3A_56 : memref<1x2x128xi32, #tpu.memory_space<hbm>> -> memref<2x128xi32, #tpu.memory_space<hbm>>
    %dma_start3A_58 = arith.constant 0 : i32
    %dma_start3A_59 = arith.constant 0 : i32
    %dma_start3A_60 = tpu.memref_slice %arg2[%add3A_53, %dma_start3A_58, %dma_start3A_59] : memref<2564x2x128xi32, #tpu.memory_space<hbm>> -> memref<1x2x128xi32, #tpu.memory_space<hbm>>
    %dma_start3A_61 = tpu.memref_squeeze %dma_start3A_60 : memref<1x2x128xi32, #tpu.memory_space<hbm>> -> memref<2x128xi32, #tpu.memory_space<hbm>>
    tpu.enqueue_dma source(%dma_start3A_61 : memref<2x128xi32, #tpu.memory_space<hbm>>) target(%arg9 : memref<2x128xi32, #tpu.memory_space<vmem>>) target_semaphore(%arg15 : memref<!tpu.dma_semaphore, #tpu.memory_space<semaphore_mem>>)
    %dma_wait3A_62 = arith.constant 0 : i32
    %dma_wait3A_63 = arith.constant 0 : i32
    %dma_wait3A_64 = tpu.memref_slice %arg2[%mul3A_6, %dma_wait3A_62, %dma_wait3A_63] : memref<2564x2x128xi32, #tpu.memory_space<hbm>> -> memref<1x2x128xi32, #tpu.memory_space<hbm>>
    %dma_wait3A_65 = tpu.memref_squeeze %dma_wait3A_64 : memref<1x2x128xi32, #tpu.memory_space<hbm>> -> memref<2x128xi32, #tpu.memory_space<hbm>>
    %dma_wait3A_66 = arith.constant 0 : i32
    %dma_wait3A_67 = arith.constant 0 : i32
    %dma_wait3A_68 = tpu.memref_slice %arg2[%mul3A_6, %dma_wait3A_66, %dma_wait3A_67] : memref<2564x2x128xi32, #tpu.memory_space<hbm>> -> memref<1x2x128xi32, #tpu.memory_space<hbm>>
    %dma_wait3A_69 = tpu.memref_squeeze %dma_wait3A_68 : memref<1x2x128xi32, #tpu.memory_space<hbm>> -> memref<2x128xi32, #tpu.memory_space<hbm>>
    tpu.wait_dma2 semaphore(%arg13 : memref<!tpu.dma_semaphore, #tpu.memory_space<semaphore_mem>>) src(%dma_wait3A_69 : memref<2x128xi32, #tpu.memory_space<hbm>>) dst(%arg7 : memref<2x128xi32, #tpu.memory_space<vmem>>)
    %dma_start3A_70 = arith.constant 1 : i32
    %dma_start3A_71 = arith.constant 0 : i32
    %dma_start3A_72 = tpu.memref_slice %arg7[%dma_start3A_70, %dma_start3A_71] : memref<2x128xi32, #tpu.memory_space<vmem>> -> memref<1x128xi32, #tpu.memory_space<vmem>>
    %dma_start3A_73 = tpu.memref_squeeze %dma_start3A_72 : memref<1x128xi32, #tpu.memory_space<vmem>> -> memref<128xi32, #tpu.memory_space<vmem>>
    %dma_start3A_74 = arith.constant 0 : i32
    %dma_start3A_75 = arith.constant 0 : i32
    %dma_start3A_76 = tpu.memref_slice %arg11[%dma_start3A_74, %dma_start3A_75] : memref<10112x128xf32, #tpu.memory_space<vmem_shared>> -> memref<10112x128xf32, #tpu.memory_space<vmem_shared>>
    tpu.enqueue_indirect_dma source(%arg10 : memref<128x128xf32, #tpu.memory_space<vmem>>) target(%dma_start3A_76 : memref<10112x128xf32, #tpu.memory_space<vmem_shared>>) offsets(%dma_start3A_73 : memref<128xi32, #tpu.memory_space<vmem>>) semaphore(%arg17 : memref<!tpu.dma_semaphore, #tpu.memory_space<semaphore_mem>>) {add = true}
    %add3A_77 = arith.constant 2 : i32
    %add3A_78 = arith.addi %mul3A_6, %add3A_77 : i32
    %dma_wait3A_79 = arith.constant 1 : i32
    %dma_wait3A_80 = arith.constant 0 : i32
    %dma_wait3A_81 = tpu.memref_slice %arg6[%dma_wait3A_79, %dma_wait3A_80] : memref<2x128xi32, #tpu.memory_space<vmem>> -> memref<1x128xi32, #tpu.memory_space<vmem>>
    %dma_wait3A_82 = tpu.memref_squeeze %dma_wait3A_81 : memref<1x128xi32, #tpu.memory_space<vmem>> -> memref<128xi32, #tpu.memory_space<vmem>>
    %dma_wait3A_83 = arith.constant 0 : i32
    %dma_wait3A_84 = arith.constant 0 : i32
    %dma_wait3A_85 = tpu.memref_slice %arg11[%dma_wait3A_83, %dma_wait3A_84] : memref<10112x128xf32, #tpu.memory_space<vmem_shared>> -> memref<10112x128xf32, #tpu.memory_space<vmem_shared>>
    tpu.wait_indirect_dma semaphore(%arg16 : memref<!tpu.dma_semaphore, #tpu.memory_space<semaphore_mem>>) src(%arg10 : memref<128x128xf32, #tpu.memory_space<vmem>>) dst(%dma_wait3A_85 : memref<10112x128xf32, #tpu.memory_space<vmem_shared>>)
    %add3A_86 = arith.constant 2 : i32
    %add3A_87 = arith.addi %add3A_78, %add3A_86 : i32
    %dma_start3A_88 = arith.constant 0 : i32
    %dma_start3A_89 = arith.constant 0 : i32
    %dma_start3A_90 = tpu.memref_slice %arg2[%add3A_87, %dma_start3A_88, %dma_start3A_89] : memref<2564x2x128xi32, #tpu.memory_space<hbm>> -> memref<1x2x128xi32, #tpu.memory_space<hbm>>
    %dma_start3A_91 = tpu.memref_squeeze %dma_start3A_90 : memref<1x2x128xi32, #tpu.memory_space<hbm>> -> memref<2x128xi32, #tpu.memory_space<hbm>>
    %dma_start3A_92 = arith.constant 0 : i32
    %dma_start3A_93 = arith.constant 0 : i32
    %dma_start3A_94 = tpu.memref_slice %arg2[%add3A_87, %dma_start3A_92, %dma_start3A_93] : memref<2564x2x128xi32, #tpu.memory_space<hbm>> -> memref<1x2x128xi32, #tpu.memory_space<hbm>>
    %dma_start3A_95 = tpu.memref_squeeze %dma_start3A_94 : memref<1x2x128xi32, #tpu.memory_space<hbm>> -> memref<2x128xi32, #tpu.memory_space<hbm>>
    tpu.enqueue_dma source(%dma_start3A_95 : memref<2x128xi32, #tpu.memory_space<hbm>>) target(%arg6 : memref<2x128xi32, #tpu.memory_space<vmem>>) target_semaphore(%arg12 : memref<!tpu.dma_semaphore, #tpu.memory_space<semaphore_mem>>)
    %dma_wait3A_96 = arith.constant 0 : i32
    %dma_wait3A_97 = arith.constant 0 : i32
    %dma_wait3A_98 = tpu.memref_slice %arg2[%mul3A_6, %dma_wait3A_96, %dma_wait3A_97] : memref<2564x2x128xi32, #tpu.memory_space<hbm>> -> memref<1x2x128xi32, #tpu.memory_space<hbm>>
    %dma_wait3A_99 = tpu.memref_squeeze %dma_wait3A_98 : memref<1x2x128xi32, #tpu.memory_space<hbm>> -> memref<2x128xi32, #tpu.memory_space<hbm>>
    %dma_wait3A_100 = arith.constant 0 : i32
    %dma_wait3A_101 = arith.constant 0 : i32
    %dma_wait3A_102 = tpu.memref_slice %arg2[%mul3A_6, %dma_wait3A_100, %dma_wait3A_101] : memref<2564x2x128xi32, #tpu.memory_space<hbm>> -> memref<1x2x128xi32, #tpu.memory_space<hbm>>
    %dma_wait3A_103 = tpu.memref_squeeze %dma_wait3A_102 : memref<1x2x128xi32, #tpu.memory_space<hbm>> -> memref<2x128xi32, #tpu.memory_space<hbm>>
    tpu.wait_dma2 semaphore(%arg14 : memref<!tpu.dma_semaphore, #tpu.memory_space<semaphore_mem>>) src(%dma_wait3A_103 : memref<2x128xi32, #tpu.memory_space<hbm>>) dst(%arg8 : memref<2x128xi32, #tpu.memory_space<vmem>>)
    %dma_start3A_104 = arith.constant 1 : i32
    %dma_start3A_105 = arith.constant 0 : i32
    %dma_start3A_106 = tpu.memref_slice %arg8[%dma_start3A_104, %dma_start3A_105] : memref<2x128xi32, #tpu.memory_space<vmem>> -> memref<1x128xi32, #tpu.memory_space<vmem>>
    %dma_start3A_107 = tpu.memref_squeeze %dma_start3A_106 : memref<1x128xi32, #tpu.memory_space<vmem>> -> memref<128xi32, #tpu.memory_space<vmem>>
    %dma_start3A_108 = arith.constant 0 : i32
    %dma_start3A_109 = arith.constant 0 : i32
    %dma_start3A_110 = tpu.memref_slice %arg11[%dma_start3A_108, %dma_start3A_109] : memref<10112x128xf32, #tpu.memory_space<vmem_shared>> -> memref<10112x128xf32, #tpu.memory_space<vmem_shared>>
    tpu.enqueue_indirect_dma source(%arg10 : memref<128x128xf32, #tpu.memory_space<vmem>>) target(%dma_start3A_110 : memref<10112x128xf32, #tpu.memory_space<vmem_shared>>) offsets(%dma_start3A_107 : memref<128xi32, #tpu.memory_space<vmem>>) semaphore(%arg16 : memref<!tpu.dma_semaphore, #tpu.memory_space<semaphore_mem>>) {add = true}
    %add3A_111 = arith.constant 3 : i32
    %add3A_112 = arith.addi %mul3A_6, %add3A_111 : i32
    %dma_wait3A_113 = arith.constant 1 : i32
    %dma_wait3A_114 = arith.constant 0 : i32
    %dma_wait3A_115 = tpu.memref_slice %arg7[%dma_wait3A_113, %dma_wait3A_114] : memref<2x128xi32, #tpu.memory_space<vmem>> -> memref<1x128xi32, #tpu.memory_space<vmem>>
    %dma_wait3A_116 = tpu.memref_squeeze %dma_wait3A_115 : memref<1x128xi32, #tpu.memory_space<vmem>> -> memref<128xi32, #tpu.memory_space<vmem>>
    %dma_wait3A_117 = arith.constant 0 : i32
    %dma_wait3A_118 = arith.constant 0 : i32
    %dma_wait3A_119 = tpu.memref_slice %arg11[%dma_wait3A_117, %dma_wait3A_118] : memref<10112x128xf32, #tpu.memory_space<vmem_shared>> -> memref<10112x128xf32, #tpu.memory_space<vmem_shared>>
    tpu.wait_indirect_dma semaphore(%arg17 : memref<!tpu.dma_semaphore, #tpu.memory_space<semaphore_mem>>) src(%arg10 : memref<128x128xf32, #tpu.memory_space<vmem>>) dst(%dma_wait3A_119 : memref<10112x128xf32, #tpu.memory_space<vmem_shared>>)
    %add3A_120 = arith.constant 2 : i32
    %add3A_121 = arith.addi %add3A_112, %add3A_120 : i32
    %dma_start3A_122 = arith.constant 0 : i32
    %dma_start3A_123 = arith.constant 0 : i32
    %dma_start3A_124 = tpu.memref_slice %arg2[%add3A_121, %dma_start3A_122, %dma_start3A_123] : memref<2564x2x128xi32, #tpu.memory_space<hbm>> -> memref<1x2x128xi32, #tpu.memory_space<hbm>>
    %dma_start3A_125 = tpu.memref_squeeze %dma_start3A_124 : memref<1x2x128xi32, #tpu.memory_space<hbm>> -> memref<2x128xi32, #tpu.memory_space<hbm>>
    %dma_start3A_126 = arith.constant 0 : i32
    %dma_start3A_127 = arith.constant 0 : i32
    %dma_start3A_128 = tpu.memref_slice %arg2[%add3A_121, %dma_start3A_126, %dma_start3A_127] : memref<2564x2x128xi32, #tpu.memory_space<hbm>> -> memref<1x2x128xi32, #tpu.memory_space<hbm>>
    %dma_start3A_129 = tpu.memref_squeeze %dma_start3A_128 : memref<1x2x128xi32, #tpu.memory_space<hbm>> -> memref<2x128xi32, #tpu.memory_space<hbm>>
    tpu.enqueue_dma source(%dma_start3A_129 : memref<2x128xi32, #tpu.memory_space<hbm>>) target(%arg7 : memref<2x128xi32, #tpu.memory_space<vmem>>) target_semaphore(%arg13 : memref<!tpu.dma_semaphore, #tpu.memory_space<semaphore_mem>>)
    %dma_wait3A_130 = arith.constant 0 : i32
    %dma_wait3A_131 = arith.constant 0 : i32
    %dma_wait3A_132 = tpu.memref_slice %arg2[%mul3A_6, %dma_wait3A_130, %dma_wait3A_131] : memref<2564x2x128xi32, #tpu.memory_space<hbm>> -> memref<1x2x128xi32, #tpu.memory_space<hbm>>
    %dma_wait3A_133 = tpu.memref_squeeze %dma_wait3A_132 : memref<1x2x128xi32, #tpu.memory_space<hbm>> -> memref<2x128xi32, #tpu.memory_space<hbm>>
    %dma_wait3A_134 = arith.constant 0 : i32
    %dma_wait3A_135 = arith.constant 0 : i32
    %dma_wait3A_136 = tpu.memref_slice %arg2[%mul3A_6, %dma_wait3A_134, %dma_wait3A_135] : memref<2564x2x128xi32, #tpu.memory_space<hbm>> -> memref<1x2x128xi32, #tpu.memory_space<hbm>>
    %dma_wait3A_137 = tpu.memref_squeeze %dma_wait3A_136 : memref<1x2x128xi32, #tpu.memory_space<hbm>> -> memref<2x128xi32, #tpu.memory_space<hbm>>
    tpu.wait_dma2 semaphore(%arg15 : memref<!tpu.dma_semaphore, #tpu.memory_space<semaphore_mem>>) src(%dma_wait3A_137 : memref<2x128xi32, #tpu.memory_space<hbm>>) dst(%arg9 : memref<2x128xi32, #tpu.memory_space<vmem>>)
    %dma_start3A_138 = arith.constant 1 : i32
    %dma_start3A_139 = arith.constant 0 : i32
    %dma_start3A_140 = tpu.memref_slice %arg9[%dma_start3A_138, %dma_start3A_139] : memref<2x128xi32, #tpu.memory_space<vmem>> -> memref<1x128xi32, #tpu.memory_space<vmem>>
    %dma_start3A_141 = tpu.memref_squeeze %dma_start3A_140 : memref<1x128xi32, #tpu.memory_space<vmem>> -> memref<128xi32, #tpu.memory_space<vmem>>
    %dma_start3A_142 = arith.constant 0 : i32
    %dma_start3A_143 = arith.constant 0 : i32
    %dma_start3A_144 = tpu.memref_slice %arg11[%dma_start3A_142, %dma_start3A_143] : memref<10112x128xf32, #tpu.memory_space<vmem_shared>> -> memref<10112x128xf32, #tpu.memory_space<vmem_shared>>
    tpu.enqueue_indirect_dma source(%arg10 : memref<128x128xf32, #tpu.memory_space<vmem>>) target(%dma_start3A_144 : memref<10112x128xf32, #tpu.memory_space<vmem_shared>>) offsets(%dma_start3A_141 : memref<128xi32, #tpu.memory_space<vmem>>) semaphore(%arg17 : memref<!tpu.dma_semaphore, #tpu.memory_space<semaphore_mem>>) {add = true}
    %sub3A = arith.constant 80 : i32
    %sub3A_145 = arith.constant 4 : i32
    %sub3A_146 = arith.subi %sub3A, %sub3A_145 : i32
    %sub3A_147 = arith.constant 4 : i32
    %sub3A_148 = arith.constant 1 : i32
    %sub3A_149 = arith.subi %sub3A_147, %sub3A_148 : i32
    %add3A_150 = arith.addi %sub3A_146, %sub3A_149 : i32
    %div3A = arith.constant 4 : i32
    %div3A_151 = arith.divsi %add3A_150, %div3A : i32
    %while3A = arith.constant 4 : i32
    %while3A_152 = arith.constant 4 : i32
    %while3A_153 = arith.constant 0 : i32
    %while3A_154 = arith.subi %div3A_151, %while3A_153 : i32
    %while3A_155 = arith.addi %while3A_153, %while3A_154 : i32
    %while3A_156 = arith.constant 1 : i32
    %while3A_157 = arith.divsi %while3A_154, %while3A_156 : i32
    %while3A_158 = arith.muli %while3A_157, %while3A_156 : i32
    %while3A_159 = arith.addi %while3A_153, %while3A_158 : i32
    %while3A_160 = arith.constant 1 : i32
    scf.for %while3A_197 = %while3A_153 to %while3A_159 step %while3A_160  : i32 {
      %mul3A_198 = arith.muli %while3A_197, %while3A : i32
      %add3A_199 = arith.addi %while3A_152, %mul3A_198 : i32
      %add3A_200 = arith.addi %mul3A_6, %add3A_199 : i32
      %add3A_201 = arith.constant 0 : i32
      %add3A_202 = arith.addi %add3A_200, %add3A_201 : i32
      %dma_wait3A_203 = arith.constant 1 : i32
      %dma_wait3A_204 = arith.constant 0 : i32
      %dma_wait3A_205 = tpu.memref_slice %arg8[%dma_wait3A_203, %dma_wait3A_204] : memref<2x128xi32, #tpu.memory_space<vmem>> -> memref<1x128xi32, #tpu.memory_space<vmem>>
      %dma_wait3A_206 = tpu.memref_squeeze %dma_wait3A_205 : memref<1x128xi32, #tpu.memory_space<vmem>> -> memref<128xi32, #tpu.memory_space<vmem>>
      %dma_wait3A_207 = arith.constant 0 : i32
      %dma_wait3A_208 = arith.constant 0 : i32
      %dma_wait3A_209 = tpu.memref_slice %arg11[%dma_wait3A_207, %dma_wait3A_208] : memref<10112x128xf32, #tpu.memory_space<vmem_shared>> -> memref<10112x128xf32, #tpu.memory_space<vmem_shared>>
      tpu.wait_indirect_dma semaphore(%arg16 : memref<!tpu.dma_semaphore, #tpu.memory_space<semaphore_mem>>) src(%arg10 : memref<128x128xf32, #tpu.memory_space<vmem>>) dst(%dma_wait3A_209 : memref<10112x128xf32, #tpu.memory_space<vmem_shared>>)
      %add3A_210 = arith.constant 2 : i32
      %add3A_211 = arith.addi %add3A_202, %add3A_210 : i32
      %dma_start3A_212 = arith.constant 0 : i32
      %dma_start3A_213 = arith.constant 0 : i32
      %dma_start3A_214 = tpu.memref_slice %arg2[%add3A_211, %dma_start3A_212, %dma_start3A_213] : memref<2564x2x128xi32, #tpu.memory_space<hbm>> -> memref<1x2x128xi32, #tpu.memory_space<hbm>>
      %dma_start3A_215 = tpu.memref_squeeze %dma_start3A_214 : memref<1x2x128xi32, #tpu.memory_space<hbm>> -> memref<2x128xi32, #tpu.memory_space<hbm>>
      %dma_start3A_216 = arith.constant 0 : i32
      %dma_start3A_217 = arith.constant 0 : i32
      %dma_start3A_218 = tpu.memref_slice %arg2[%add3A_211, %dma_start3A_216, %dma_start3A_217] : memref<2564x2x128xi32, #tpu.memory_space<hbm>> -> memref<1x2x128xi32, #tpu.memory_space<hbm>>
      %dma_start3A_219 = tpu.memref_squeeze %dma_start3A_218 : memref<1x2x128xi32, #tpu.memory_space<hbm>> -> memref<2x128xi32, #tpu.memory_space<hbm>>
      tpu.enqueue_dma source(%dma_start3A_219 : memref<2x128xi32, #tpu.memory_space<hbm>>) target(%arg8 : memref<2x128xi32, #tpu.memory_space<vmem>>) target_semaphore(%arg14 : memref<!tpu.dma_semaphore, #tpu.memory_space<semaphore_mem>>)
      %dma_wait3A_220 = arith.constant 0 : i32
      %dma_wait3A_221 = arith.constant 0 : i32
      %dma_wait3A_222 = tpu.memref_slice %arg2[%mul3A_6, %dma_wait3A_220, %dma_wait3A_221] : memref<2564x2x128xi32, #tpu.memory_space<hbm>> -> memref<1x2x128xi32, #tpu.memory_space<hbm>>
      %dma_wait3A_223 = tpu.memref_squeeze %dma_wait3A_222 : memref<1x2x128xi32, #tpu.memory_space<hbm>> -> memref<2x128xi32, #tpu.memory_space<hbm>>
      %dma_wait3A_224 = arith.constant 0 : i32
      %dma_wait3A_225 = arith.constant 0 : i32
      %dma_wait3A_226 = tpu.memref_slice %arg2[%mul3A_6, %dma_wait3A_224, %dma_wait3A_225] : memref<2564x2x128xi32, #tpu.memory_space<hbm>> -> memref<1x2x128xi32, #tpu.memory_space<hbm>>
      %dma_wait3A_227 = tpu.memref_squeeze %dma_wait3A_226 : memref<1x2x128xi32, #tpu.memory_space<hbm>> -> memref<2x128xi32, #tpu.memory_space<hbm>>
      tpu.wait_dma2 semaphore(%arg12 : memref<!tpu.dma_semaphore, #tpu.memory_space<semaphore_mem>>) src(%dma_wait3A_227 : memref<2x128xi32, #tpu.memory_space<hbm>>) dst(%arg6 : memref<2x128xi32, #tpu.memory_space<vmem>>)
      %dma_start3A_228 = arith.constant 1 : i32
      %dma_start3A_229 = arith.constant 0 : i32
      %dma_start3A_230 = tpu.memref_slice %arg6[%dma_start3A_228, %dma_start3A_229] : memref<2x128xi32, #tpu.memory_space<vmem>> -> memref<1x128xi32, #tpu.memory_space<vmem>>
      %dma_start3A_231 = tpu.memref_squeeze %dma_start3A_230 : memref<1x128xi32, #tpu.memory_space<vmem>> -> memref<128xi32, #tpu.memory_space<vmem>>
      %dma_start3A_232 = arith.constant 0 : i32
      %dma_start3A_233 = arith.constant 0 : i32
      %dma_start3A_234 = tpu.memref_slice %arg11[%dma_start3A_232, %dma_start3A_233] : memref<10112x128xf32, #tpu.memory_space<vmem_shared>> -> memref<10112x128xf32, #tpu.memory_space<vmem_shared>>
      tpu.enqueue_indirect_dma source(%arg10 : memref<128x128xf32, #tpu.memory_space<vmem>>) target(%dma_start3A_234 : memref<10112x128xf32, #tpu.memory_space<vmem_shared>>) offsets(%dma_start3A_231 : memref<128xi32, #tpu.memory_space<vmem>>) semaphore(%arg16 : memref<!tpu.dma_semaphore, #tpu.memory_space<semaphore_mem>>) {add = true}
      %add3A_235 = arith.constant 1 : i32
      %add3A_236 = arith.addi %add3A_200, %add3A_235 : i32
      %dma_wait3A_237 = arith.constant 1 : i32
      %dma_wait3A_238 = arith.constant 0 : i32
      %dma_wait3A_239 = tpu.memref_slice %arg9[%dma_wait3A_237, %dma_wait3A_238] : memref<2x128xi32, #tpu.memory_space<vmem>> -> memref<1x128xi32, #tpu.memory_space<vmem>>
      %dma_wait3A_240 = tpu.memref_squeeze %dma_wait3A_239 : memref<1x128xi32, #tpu.memory_space<vmem>> -> memref<128xi32, #tpu.memory_space<vmem>>
      %dma_wait3A_241 = arith.constant 0 : i32
      %dma_wait3A_242 = arith.constant 0 : i32
      %dma_wait3A_243 = tpu.memref_slice %arg11[%dma_wait3A_241, %dma_wait3A_242] : memref<10112x128xf32, #tpu.memory_space<vmem_shared>> -> memref<10112x128xf32, #tpu.memory_space<vmem_shared>>
      tpu.wait_indirect_dma semaphore(%arg17 : memref<!tpu.dma_semaphore, #tpu.memory_space<semaphore_mem>>) src(%arg10 : memref<128x128xf32, #tpu.memory_space<vmem>>) dst(%dma_wait3A_243 : memref<10112x128xf32, #tpu.memory_space<vmem_shared>>)
      %add3A_244 = arith.constant 2 : i32
      %add3A_245 = arith.addi %add3A_236, %add3A_244 : i32
      %dma_start3A_246 = arith.constant 0 : i32
      %dma_start3A_247 = arith.constant 0 : i32
      %dma_start3A_248 = tpu.memref_slice %arg2[%add3A_245, %dma_start3A_246, %dma_start3A_247] : memref<2564x2x128xi32, #tpu.memory_space<hbm>> -> memref<1x2x128xi32, #tpu.memory_space<hbm>>
      %dma_start3A_249 = tpu.memref_squeeze %dma_start3A_248 : memref<1x2x128xi32, #tpu.memory_space<hbm>> -> memref<2x128xi32, #tpu.memory_space<hbm>>
      %dma_start3A_250 = arith.constant 0 : i32
      %dma_start3A_251 = arith.constant 0 : i32
      %dma_start3A_252 = tpu.memref_slice %arg2[%add3A_245, %dma_start3A_250, %dma_start3A_251] : memref<2564x2x128xi32, #tpu.memory_space<hbm>> -> memref<1x2x128xi32, #tpu.memory_space<hbm>>
      %dma_start3A_253 = tpu.memref_squeeze %dma_start3A_252 : memref<1x2x128xi32, #tpu.memory_space<hbm>> -> memref<2x128xi32, #tpu.memory_space<hbm>>
      tpu.enqueue_dma source(%dma_start3A_253 : memref<2x128xi32, #tpu.memory_space<hbm>>) target(%arg9 : memref<2x128xi32, #tpu.memory_space<vmem>>) target_semaphore(%arg15 : memref<!tpu.dma_semaphore, #tpu.memory_space<semaphore_mem>>)
      %dma_wait3A_254 = arith.constant 0 : i32
      %dma_wait3A_255 = arith.constant 0 : i32
      %dma_wait3A_256 = tpu.memref_slice %arg2[%mul3A_6, %dma_wait3A_254, %dma_wait3A_255] : memref<2564x2x128xi32, #tpu.memory_space<hbm>> -> memref<1x2x128xi32, #tpu.memory_space<hbm>>
      %dma_wait3A_257 = tpu.memref_squeeze %dma_wait3A_256 : memref<1x2x128xi32, #tpu.memory_space<hbm>> -> memref<2x128xi32, #tpu.memory_space<hbm>>
      %dma_wait3A_258 = arith.constant 0 : i32
      %dma_wait3A_259 = arith.constant 0 : i32
      %dma_wait3A_260 = tpu.memref_slice %arg2[%mul3A_6, %dma_wait3A_258, %dma_wait3A_259] : memref<2564x2x128xi32, #tpu.memory_space<hbm>> -> memref<1x2x128xi32, #tpu.memory_space<hbm>>
      %dma_wait3A_261 = tpu.memref_squeeze %dma_wait3A_260 : memref<1x2x128xi32, #tpu.memory_space<hbm>> -> memref<2x128xi32, #tpu.memory_space<hbm>>
      tpu.wait_dma2 semaphore(%arg13 : memref<!tpu.dma_semaphore, #tpu.memory_space<semaphore_mem>>) src(%dma_wait3A_261 : memref<2x128xi32, #tpu.memory_space<hbm>>) dst(%arg7 : memref<2x128xi32, #tpu.memory_space<vmem>>)
      %dma_start3A_262 = arith.constant 1 : i32
      %dma_start3A_263 = arith.constant 0 : i32
      %dma_start3A_264 = tpu.memref_slice %arg7[%dma_start3A_262, %dma_start3A_263] : memref<2x128xi32, #tpu.memory_space<vmem>> -> memref<1x128xi32, #tpu.memory_space<vmem>>
      %dma_start3A_265 = tpu.memref_squeeze %dma_start3A_264 : memref<1x128xi32, #tpu.memory_space<vmem>> -> memref<128xi32, #tpu.memory_space<vmem>>
      %dma_start3A_266 = arith.constant 0 : i32
      %dma_start3A_267 = arith.constant 0 : i32
      %dma_start3A_268 = tpu.memref_slice %arg11[%dma_start3A_266, %dma_start3A_267] : memref<10112x128xf32, #tpu.memory_space<vmem_shared>> -> memref<10112x128xf32, #tpu.memory_space<vmem_shared>>
      tpu.enqueue_indirect_dma source(%arg10 : memref<128x128xf32, #tpu.memory_space<vmem>>) target(%dma_start3A_268 : memref<10112x128xf32, #tpu.memory_space<vmem_shared>>) offsets(%dma_start3A_265 : memref<128xi32, #tpu.memory_space<vmem>>) semaphore(%arg17 : memref<!tpu.dma_semaphore, #tpu.memory_space<semaphore_mem>>) {add = true}
      %add3A_269 = arith.constant 2 : i32
      %add3A_270 = arith.addi %add3A_200, %add3A_269 : i32
      %dma_wait3A_271 = arith.constant 1 : i32
      %dma_wait3A_272 = arith.constant 0 : i32
      %dma_wait3A_273 = tpu.memref_slice %arg6[%dma_wait3A_271, %dma_wait3A_272] : memref<2x128xi32, #tpu.memory_space<vmem>> -> memref<1x128xi32, #tpu.memory_space<vmem>>
      %dma_wait3A_274 = tpu.memref_squeeze %dma_wait3A_273 : memref<1x128xi32, #tpu.memory_space<vmem>> -> memref<128xi32, #tpu.memory_space<vmem>>
      %dma_wait3A_275 = arith.constant 0 : i32
      %dma_wait3A_276 = arith.constant 0 : i32
      %dma_wait3A_277 = tpu.memref_slice %arg11[%dma_wait3A_275, %dma_wait3A_276] : memref<10112x128xf32, #tpu.memory_space<vmem_shared>> -> memref<10112x128xf32, #tpu.memory_space<vmem_shared>>
      tpu.wait_indirect_dma semaphore(%arg16 : memref<!tpu.dma_semaphore, #tpu.memory_space<semaphore_mem>>) src(%arg10 : memref<128x128xf32, #tpu.memory_space<vmem>>) dst(%dma_wait3A_277 : memref<10112x128xf32, #tpu.memory_space<vmem_shared>>)
      %add3A_278 = arith.constant 2 : i32
      %add3A_279 = arith.addi %add3A_270, %add3A_278 : i32
      %dma_start3A_280 = arith.constant 0 : i32
      %dma_start3A_281 = arith.constant 0 : i32
      %dma_start3A_282 = tpu.memref_slice %arg2[%add3A_279, %dma_start3A_280, %dma_start3A_281] : memref<2564x2x128xi32, #tpu.memory_space<hbm>> -> memref<1x2x128xi32, #tpu.memory_space<hbm>>
      %dma_start3A_283 = tpu.memref_squeeze %dma_start3A_282 : memref<1x2x128xi32, #tpu.memory_space<hbm>> -> memref<2x128xi32, #tpu.memory_space<hbm>>
      %dma_start3A_284 = arith.constant 0 : i32
      %dma_start3A_285 = arith.constant 0 : i32
      %dma_start3A_286 = tpu.memref_slice %arg2[%add3A_279, %dma_start3A_284, %dma_start3A_285] : memref<2564x2x128xi32, #tpu.memory_space<hbm>> -> memref<1x2x128xi32, #tpu.memory_space<hbm>>
      %dma_start3A_287 = tpu.memref_squeeze %dma_start3A_286 : memref<1x2x128xi32, #tpu.memory_space<hbm>> -> memref<2x128xi32, #tpu.memory_space<hbm>>
      tpu.enqueue_dma source(%dma_start3A_287 : memref<2x128xi32, #tpu.memory_space<hbm>>) target(%arg6 : memref<2x128xi32, #tpu.memory_space<vmem>>) target_semaphore(%arg12 : memref<!tpu.dma_semaphore, #tpu.memory_space<semaphore_mem>>)
      %dma_wait3A_288 = arith.constant 0 : i32
      %dma_wait3A_289 = arith.constant 0 : i32
      %dma_wait3A_290 = tpu.memref_slice %arg2[%mul3A_6, %dma_wait3A_288, %dma_wait3A_289] : memref<2564x2x128xi32, #tpu.memory_space<hbm>> -> memref<1x2x128xi32, #tpu.memory_space<hbm>>
      %dma_wait3A_291 = tpu.memref_squeeze %dma_wait3A_290 : memref<1x2x128xi32, #tpu.memory_space<hbm>> -> memref<2x128xi32, #tpu.memory_space<hbm>>
      %dma_wait3A_292 = arith.constant 0 : i32
      %dma_wait3A_293 = arith.constant 0 : i32
      %dma_wait3A_294 = tpu.memref_slice %arg2[%mul3A_6, %dma_wait3A_292, %dma_wait3A_293] : memref<2564x2x128xi32, #tpu.memory_space<hbm>> -> memref<1x2x128xi32, #tpu.memory_space<hbm>>
      %dma_wait3A_295 = tpu.memref_squeeze %dma_wait3A_294 : memref<1x2x128xi32, #tpu.memory_space<hbm>> -> memref<2x128xi32, #tpu.memory_space<hbm>>
      tpu.wait_dma2 semaphore(%arg14 : memref<!tpu.dma_semaphore, #tpu.memory_space<semaphore_mem>>) src(%dma_wait3A_295 : memref<2x128xi32, #tpu.memory_space<hbm>>) dst(%arg8 : memref<2x128xi32, #tpu.memory_space<vmem>>)
      %dma_start3A_296 = arith.constant 1 : i32
      %dma_start3A_297 = arith.constant 0 : i32
      %dma_start3A_298 = tpu.memref_slice %arg8[%dma_start3A_296, %dma_start3A_297] : memref<2x128xi32, #tpu.memory_space<vmem>> -> memref<1x128xi32, #tpu.memory_space<vmem>>
      %dma_start3A_299 = tpu.memref_squeeze %dma_start3A_298 : memref<1x128xi32, #tpu.memory_space<vmem>> -> memref<128xi32, #tpu.memory_space<vmem>>
      %dma_start3A_300 = arith.constant 0 : i32
      %dma_start3A_301 = arith.constant 0 : i32
      %dma_start3A_302 = tpu.memref_slice %arg11[%dma_start3A_300, %dma_start3A_301] : memref<10112x128xf32, #tpu.memory_space<vmem_shared>> -> memref<10112x128xf32, #tpu.memory_space<vmem_shared>>
      tpu.enqueue_indirect_dma source(%arg10 : memref<128x128xf32, #tpu.memory_space<vmem>>) target(%dma_start3A_302 : memref<10112x128xf32, #tpu.memory_space<vmem_shared>>) offsets(%dma_start3A_299 : memref<128xi32, #tpu.memory_space<vmem>>) semaphore(%arg16 : memref<!tpu.dma_semaphore, #tpu.memory_space<semaphore_mem>>) {add = true}
      %add3A_303 = arith.constant 3 : i32
      %add3A_304 = arith.addi %add3A_200, %add3A_303 : i32
      %dma_wait3A_305 = arith.constant 1 : i32
      %dma_wait3A_306 = arith.constant 0 : i32
      %dma_wait3A_307 = tpu.memref_slice %arg7[%dma_wait3A_305, %dma_wait3A_306] : memref<2x128xi32, #tpu.memory_space<vmem>> -> memref<1x128xi32, #tpu.memory_space<vmem>>
      %dma_wait3A_308 = tpu.memref_squeeze %dma_wait3A_307 : memref<1x128xi32, #tpu.memory_space<vmem>> -> memref<128xi32, #tpu.memory_space<vmem>>
      %dma_wait3A_309 = arith.constant 0 : i32
      %dma_wait3A_310 = arith.constant 0 : i32
      %dma_wait3A_311 = tpu.memref_slice %arg11[%dma_wait3A_309, %dma_wait3A_310] : memref<10112x128xf32, #tpu.memory_space<vmem_shared>> -> memref<10112x128xf32, #tpu.memory_space<vmem_shared>>
      tpu.wait_indirect_dma semaphore(%arg17 : memref<!tpu.dma_semaphore, #tpu.memory_space<semaphore_mem>>) src(%arg10 : memref<128x128xf32, #tpu.memory_space<vmem>>) dst(%dma_wait3A_311 : memref<10112x128xf32, #tpu.memory_space<vmem_shared>>)
      %add3A_312 = arith.constant 2 : i32
      %add3A_313 = arith.addi %add3A_304, %add3A_312 : i32
      %dma_start3A_314 = arith.constant 0 : i32
      %dma_start3A_315 = arith.constant 0 : i32
      %dma_start3A_316 = tpu.memref_slice %arg2[%add3A_313, %dma_start3A_314, %dma_start3A_315] : memref<2564x2x128xi32, #tpu.memory_space<hbm>> -> memref<1x2x128xi32, #tpu.memory_space<hbm>>
      %dma_start3A_317 = tpu.memref_squeeze %dma_start3A_316 : memref<1x2x128xi32, #tpu.memory_space<hbm>> -> memref<2x128xi32, #tpu.memory_space<hbm>>
      %dma_start3A_318 = arith.constant 0 : i32
      %dma_start3A_319 = arith.constant 0 : i32
      %dma_start3A_320 = tpu.memref_slice %arg2[%add3A_313, %dma_start3A_318, %dma_start3A_319] : memref<2564x2x128xi32, #tpu.memory_space<hbm>> -> memref<1x2x128xi32, #tpu.memory_space<hbm>>
      %dma_start3A_321 = tpu.memref_squeeze %dma_start3A_320 : memref<1x2x128xi32, #tpu.memory_space<hbm>> -> memref<2x128xi32, #tpu.memory_space<hbm>>
      tpu.enqueue_dma source(%dma_start3A_321 : memref<2x128xi32, #tpu.memory_space<hbm>>) target(%arg7 : memref<2x128xi32, #tpu.memory_space<vmem>>) target_semaphore(%arg13 : memref<!tpu.dma_semaphore, #tpu.memory_space<semaphore_mem>>)
      %dma_wait3A_322 = arith.constant 0 : i32
      %dma_wait3A_323 = arith.constant 0 : i32
      %dma_wait3A_324 = tpu.memref_slice %arg2[%mul3A_6, %dma_wait3A_322, %dma_wait3A_323] : memref<2564x2x128xi32, #tpu.memory_space<hbm>> -> memref<1x2x128xi32, #tpu.memory_space<hbm>>
      %dma_wait3A_325 = tpu.memref_squeeze %dma_wait3A_324 : memref<1x2x128xi32, #tpu.memory_space<hbm>> -> memref<2x128xi32, #tpu.memory_space<hbm>>
      %dma_wait3A_326 = arith.constant 0 : i32
      %dma_wait3A_327 = arith.constant 0 : i32
      %dma_wait3A_328 = tpu.memref_slice %arg2[%mul3A_6, %dma_wait3A_326, %dma_wait3A_327] : memref<2564x2x128xi32, #tpu.memory_space<hbm>> -> memref<1x2x128xi32, #tpu.memory_space<hbm>>
      %dma_wait3A_329 = tpu.memref_squeeze %dma_wait3A_328 : memref<1x2x128xi32, #tpu.memory_space<hbm>> -> memref<2x128xi32, #tpu.memory_space<hbm>>
      tpu.wait_dma2 semaphore(%arg15 : memref<!tpu.dma_semaphore, #tpu.memory_space<semaphore_mem>>) src(%dma_wait3A_329 : memref<2x128xi32, #tpu.memory_space<hbm>>) dst(%arg9 : memref<2x128xi32, #tpu.memory_space<vmem>>)
      %dma_start3A_330 = arith.constant 1 : i32
      %dma_start3A_331 = arith.constant 0 : i32
      %dma_start3A_332 = tpu.memref_slice %arg9[%dma_start3A_330, %dma_start3A_331] : memref<2x128xi32, #tpu.memory_space<vmem>> -> memref<1x128xi32, #tpu.memory_space<vmem>>
      %dma_start3A_333 = tpu.memref_squeeze %dma_start3A_332 : memref<1x128xi32, #tpu.memory_space<vmem>> -> memref<128xi32, #tpu.memory_space<vmem>>
      %dma_start3A_334 = arith.constant 0 : i32
      %dma_start3A_335 = arith.constant 0 : i32
      %dma_start3A_336 = tpu.memref_slice %arg11[%dma_start3A_334, %dma_start3A_335] : memref<10112x128xf32, #tpu.memory_space<vmem_shared>> -> memref<10112x128xf32, #tpu.memory_space<vmem_shared>>
      tpu.enqueue_indirect_dma source(%arg10 : memref<128x128xf32, #tpu.memory_space<vmem>>) target(%dma_start3A_336 : memref<10112x128xf32, #tpu.memory_space<vmem_shared>>) offsets(%dma_start3A_333 : memref<128xi32, #tpu.memory_space<vmem>>) semaphore(%arg17 : memref<!tpu.dma_semaphore, #tpu.memory_space<semaphore_mem>>) {add = true}
    }
    %while3A_161 = arith.constant 1 : i32
    scf.for %while3A_197 = %while3A_159 to %while3A_155 step %while3A_161  : i32 {
      %mul3A_198 = arith.muli %while3A_197, %while3A : i32
      %add3A_199 = arith.addi %while3A_152, %mul3A_198 : i32
      %add3A_200 = arith.addi %mul3A_6, %add3A_199 : i32
      %add3A_201 = arith.constant 0 : i32
      %add3A_202 = arith.addi %add3A_200, %add3A_201 : i32
      %dma_wait3A_203 = arith.constant 1 : i32
      %dma_wait3A_204 = arith.constant 0 : i32
      %dma_wait3A_205 = tpu.memref_slice %arg8[%dma_wait3A_203, %dma_wait3A_204] : memref<2x128xi32, #tpu.memory_space<vmem>> -> memref<1x128xi32, #tpu.memory_space<vmem>>
      %dma_wait3A_206 = tpu.memref_squeeze %dma_wait3A_205 : memref<1x128xi32, #tpu.memory_space<vmem>> -> memref<128xi32, #tpu.memory_space<vmem>>
      %dma_wait3A_207 = arith.constant 0 : i32
      %dma_wait3A_208 = arith.constant 0 : i32
      %dma_wait3A_209 = tpu.memref_slice %arg11[%dma_wait3A_207, %dma_wait3A_208] : memref<10112x128xf32, #tpu.memory_space<vmem_shared>> -> memref<10112x128xf32, #tpu.memory_space<vmem_shared>>
      tpu.wait_indirect_dma semaphore(%arg16 : memref<!tpu.dma_semaphore, #tpu.memory_space<semaphore_mem>>) src(%arg10 : memref<128x128xf32, #tpu.memory_space<vmem>>) dst(%dma_wait3A_209 : memref<10112x128xf32, #tpu.memory_space<vmem_shared>>)
      %add3A_210 = arith.constant 2 : i32
      %add3A_211 = arith.addi %add3A_202, %add3A_210 : i32
      %dma_start3A_212 = arith.constant 0 : i32
      %dma_start3A_213 = arith.constant 0 : i32
      %dma_start3A_214 = tpu.memref_slice %arg2[%add3A_211, %dma_start3A_212, %dma_start3A_213] : memref<2564x2x128xi32, #tpu.memory_space<hbm>> -> memref<1x2x128xi32, #tpu.memory_space<hbm>>
      %dma_start3A_215 = tpu.memref_squeeze %dma_start3A_214 : memref<1x2x128xi32, #tpu.memory_space<hbm>> -> memref<2x128xi32, #tpu.memory_space<hbm>>
      %dma_start3A_216 = arith.constant 0 : i32
      %dma_start3A_217 = arith.constant 0 : i32
      %dma_start3A_218 = tpu.memref_slice %arg2[%add3A_211, %dma_start3A_216, %dma_start3A_217] : memref<2564x2x128xi32, #tpu.memory_space<hbm>> -> memref<1x2x128xi32, #tpu.memory_space<hbm>>
      %dma_start3A_219 = tpu.memref_squeeze %dma_start3A_218 : memref<1x2x128xi32, #tpu.memory_space<hbm>> -> memref<2x128xi32, #tpu.memory_space<hbm>>
      tpu.enqueue_dma source(%dma_start3A_219 : memref<2x128xi32, #tpu.memory_space<hbm>>) target(%arg8 : memref<2x128xi32, #tpu.memory_space<vmem>>) target_semaphore(%arg14 : memref<!tpu.dma_semaphore, #tpu.memory_space<semaphore_mem>>)
      %dma_wait3A_220 = arith.constant 0 : i32
      %dma_wait3A_221 = arith.constant 0 : i32
      %dma_wait3A_222 = tpu.memref_slice %arg2[%mul3A_6, %dma_wait3A_220, %dma_wait3A_221] : memref<2564x2x128xi32, #tpu.memory_space<hbm>> -> memref<1x2x128xi32, #tpu.memory_space<hbm>>
      %dma_wait3A_223 = tpu.memref_squeeze %dma_wait3A_222 : memref<1x2x128xi32, #tpu.memory_space<hbm>> -> memref<2x128xi32, #tpu.memory_space<hbm>>
      %dma_wait3A_224 = arith.constant 0 : i32
      %dma_wait3A_225 = arith.constant 0 : i32
      %dma_wait3A_226 = tpu.memref_slice %arg2[%mul3A_6, %dma_wait3A_224, %dma_wait3A_225] : memref<2564x2x128xi32, #tpu.memory_space<hbm>> -> memref<1x2x128xi32, #tpu.memory_space<hbm>>
      %dma_wait3A_227 = tpu.memref_squeeze %dma_wait3A_226 : memref<1x2x128xi32, #tpu.memory_space<hbm>> -> memref<2x128xi32, #tpu.memory_space<hbm>>
      tpu.wait_dma2 semaphore(%arg12 : memref<!tpu.dma_semaphore, #tpu.memory_space<semaphore_mem>>) src(%dma_wait3A_227 : memref<2x128xi32, #tpu.memory_space<hbm>>) dst(%arg6 : memref<2x128xi32, #tpu.memory_space<vmem>>)
      %dma_start3A_228 = arith.constant 1 : i32
      %dma_start3A_229 = arith.constant 0 : i32
      %dma_start3A_230 = tpu.memref_slice %arg6[%dma_start3A_228, %dma_start3A_229] : memref<2x128xi32, #tpu.memory_space<vmem>> -> memref<1x128xi32, #tpu.memory_space<vmem>>
      %dma_start3A_231 = tpu.memref_squeeze %dma_start3A_230 : memref<1x128xi32, #tpu.memory_space<vmem>> -> memref<128xi32, #tpu.memory_space<vmem>>
      %dma_start3A_232 = arith.constant 0 : i32
      %dma_start3A_233 = arith.constant 0 : i32
      %dma_start3A_234 = tpu.memref_slice %arg11[%dma_start3A_232, %dma_start3A_233] : memref<10112x128xf32, #tpu.memory_space<vmem_shared>> -> memref<10112x128xf32, #tpu.memory_space<vmem_shared>>
      tpu.enqueue_indirect_dma source(%arg10 : memref<128x128xf32, #tpu.memory_space<vmem>>) target(%dma_start3A_234 : memref<10112x128xf32, #tpu.memory_space<vmem_shared>>) offsets(%dma_start3A_231 : memref<128xi32, #tpu.memory_space<vmem>>) semaphore(%arg16 : memref<!tpu.dma_semaphore, #tpu.memory_space<semaphore_mem>>) {add = true}
      %add3A_235 = arith.constant 1 : i32
      %add3A_236 = arith.addi %add3A_200, %add3A_235 : i32
      %dma_wait3A_237 = arith.constant 1 : i32
      %dma_wait3A_238 = arith.constant 0 : i32
      %dma_wait3A_239 = tpu.memref_slice %arg9[%dma_wait3A_237, %dma_wait3A_238] : memref<2x128xi32, #tpu.memory_space<vmem>> -> memref<1x128xi32, #tpu.memory_space<vmem>>
      %dma_wait3A_240 = tpu.memref_squeeze %dma_wait3A_239 : memref<1x128xi32, #tpu.memory_space<vmem>> -> memref<128xi32, #tpu.memory_space<vmem>>
      %dma_wait3A_241 = arith.constant 0 : i32
      %dma_wait3A_242 = arith.constant 0 : i32
      %dma_wait3A_243 = tpu.memref_slice %arg11[%dma_wait3A_241, %dma_wait3A_242] : memref<10112x128xf32, #tpu.memory_space<vmem_shared>> -> memref<10112x128xf32, #tpu.memory_space<vmem_shared>>
      tpu.wait_indirect_dma semaphore(%arg17 : memref<!tpu.dma_semaphore, #tpu.memory_space<semaphore_mem>>) src(%arg10 : memref<128x128xf32, #tpu.memory_space<vmem>>) dst(%dma_wait3A_243 : memref<10112x128xf32, #tpu.memory_space<vmem_shared>>)
      %add3A_244 = arith.constant 2 : i32
      %add3A_245 = arith.addi %add3A_236, %add3A_244 : i32
      %dma_start3A_246 = arith.constant 0 : i32
      %dma_start3A_247 = arith.constant 0 : i32
      %dma_start3A_248 = tpu.memref_slice %arg2[%add3A_245, %dma_start3A_246, %dma_start3A_247] : memref<2564x2x128xi32, #tpu.memory_space<hbm>> -> memref<1x2x128xi32, #tpu.memory_space<hbm>>
      %dma_start3A_249 = tpu.memref_squeeze %dma_start3A_248 : memref<1x2x128xi32, #tpu.memory_space<hbm>> -> memref<2x128xi32, #tpu.memory_space<hbm>>
      %dma_start3A_250 = arith.constant 0 : i32
      %dma_start3A_251 = arith.constant 0 : i32
      %dma_start3A_252 = tpu.memref_slice %arg2[%add3A_245, %dma_start3A_250, %dma_start3A_251] : memref<2564x2x128xi32, #tpu.memory_space<hbm>> -> memref<1x2x128xi32, #tpu.memory_space<hbm>>
      %dma_start3A_253 = tpu.memref_squeeze %dma_start3A_252 : memref<1x2x128xi32, #tpu.memory_space<hbm>> -> memref<2x128xi32, #tpu.memory_space<hbm>>
      tpu.enqueue_dma source(%dma_start3A_253 : memref<2x128xi32, #tpu.memory_space<hbm>>) target(%arg9 : memref<2x128xi32, #tpu.memory_space<vmem>>) target_semaphore(%arg15 : memref<!tpu.dma_semaphore, #tpu.memory_space<semaphore_mem>>)
      %dma_wait3A_254 = arith.constant 0 : i32
      %dma_wait3A_255 = arith.constant 0 : i32
      %dma_wait3A_256 = tpu.memref_slice %arg2[%mul3A_6, %dma_wait3A_254, %dma_wait3A_255] : memref<2564x2x128xi32, #tpu.memory_space<hbm>> -> memref<1x2x128xi32, #tpu.memory_space<hbm>>
      %dma_wait3A_257 = tpu.memref_squeeze %dma_wait3A_256 : memref<1x2x128xi32, #tpu.memory_space<hbm>> -> memref<2x128xi32, #tpu.memory_space<hbm>>
      %dma_wait3A_258 = arith.constant 0 : i32
      %dma_wait3A_259 = arith.constant 0 : i32
      %dma_wait3A_260 = tpu.memref_slice %arg2[%mul3A_6, %dma_wait3A_258, %dma_wait3A_259] : memref<2564x2x128xi32, #tpu.memory_space<hbm>> -> memref<1x2x128xi32, #tpu.memory_space<hbm>>
      %dma_wait3A_261 = tpu.memref_squeeze %dma_wait3A_260 : memref<1x2x128xi32, #tpu.memory_space<hbm>> -> memref<2x128xi32, #tpu.memory_space<hbm>>
      tpu.wait_dma2 semaphore(%arg13 : memref<!tpu.dma_semaphore, #tpu.memory_space<semaphore_mem>>) src(%dma_wait3A_261 : memref<2x128xi32, #tpu.memory_space<hbm>>) dst(%arg7 : memref<2x128xi32, #tpu.memory_space<vmem>>)
      %dma_start3A_262 = arith.constant 1 : i32
      %dma_start3A_263 = arith.constant 0 : i32
      %dma_start3A_264 = tpu.memref_slice %arg7[%dma_start3A_262, %dma_start3A_263] : memref<2x128xi32, #tpu.memory_space<vmem>> -> memref<1x128xi32, #tpu.memory_space<vmem>>
      %dma_start3A_265 = tpu.memref_squeeze %dma_start3A_264 : memref<1x128xi32, #tpu.memory_space<vmem>> -> memref<128xi32, #tpu.memory_space<vmem>>
      %dma_start3A_266 = arith.constant 0 : i32
      %dma_start3A_267 = arith.constant 0 : i32
      %dma_start3A_268 = tpu.memref_slice %arg11[%dma_start3A_266, %dma_start3A_267] : memref<10112x128xf32, #tpu.memory_space<vmem_shared>> -> memref<10112x128xf32, #tpu.memory_space<vmem_shared>>
      tpu.enqueue_indirect_dma source(%arg10 : memref<128x128xf32, #tpu.memory_space<vmem>>) target(%dma_start3A_268 : memref<10112x128xf32, #tpu.memory_space<vmem_shared>>) offsets(%dma_start3A_265 : memref<128xi32, #tpu.memory_space<vmem>>) semaphore(%arg17 : memref<!tpu.dma_semaphore, #tpu.memory_space<semaphore_mem>>) {add = true}
      %add3A_269 = arith.constant 2 : i32
      %add3A_270 = arith.addi %add3A_200, %add3A_269 : i32
      %dma_wait3A_271 = arith.constant 1 : i32
      %dma_wait3A_272 = arith.constant 0 : i32
      %dma_wait3A_273 = tpu.memref_slice %arg6[%dma_wait3A_271, %dma_wait3A_272] : memref<2x128xi32, #tpu.memory_space<vmem>> -> memref<1x128xi32, #tpu.memory_space<vmem>>
      %dma_wait3A_274 = tpu.memref_squeeze %dma_wait3A_273 : memref<1x128xi32, #tpu.memory_space<vmem>> -> memref<128xi32, #tpu.memory_space<vmem>>
      %dma_wait3A_275 = arith.constant 0 : i32
      %dma_wait3A_276 = arith.constant 0 : i32
      %dma_wait3A_277 = tpu.memref_slice %arg11[%dma_wait3A_275, %dma_wait3A_276] : memref<10112x128xf32, #tpu.memory_space<vmem_shared>> -> memref<10112x128xf32, #tpu.memory_space<vmem_shared>>
      tpu.wait_indirect_dma semaphore(%arg16 : memref<!tpu.dma_semaphore, #tpu.memory_space<semaphore_mem>>) src(%arg10 : memref<128x128xf32, #tpu.memory_space<vmem>>) dst(%dma_wait3A_277 : memref<10112x128xf32, #tpu.memory_space<vmem_shared>>)
      %add3A_278 = arith.constant 2 : i32
      %add3A_279 = arith.addi %add3A_270, %add3A_278 : i32
      %dma_start3A_280 = arith.constant 0 : i32
      %dma_start3A_281 = arith.constant 0 : i32
      %dma_start3A_282 = tpu.memref_slice %arg2[%add3A_279, %dma_start3A_280, %dma_start3A_281] : memref<2564x2x128xi32, #tpu.memory_space<hbm>> -> memref<1x2x128xi32, #tpu.memory_space<hbm>>
      %dma_start3A_283 = tpu.memref_squeeze %dma_start3A_282 : memref<1x2x128xi32, #tpu.memory_space<hbm>> -> memref<2x128xi32, #tpu.memory_space<hbm>>
      %dma_start3A_284 = arith.constant 0 : i32
      %dma_start3A_285 = arith.constant 0 : i32
      %dma_start3A_286 = tpu.memref_slice %arg2[%add3A_279, %dma_start3A_284, %dma_start3A_285] : memref<2564x2x128xi32, #tpu.memory_space<hbm>> -> memref<1x2x128xi32, #tpu.memory_space<hbm>>
      %dma_start3A_287 = tpu.memref_squeeze %dma_start3A_286 : memref<1x2x128xi32, #tpu.memory_space<hbm>> -> memref<2x128xi32, #tpu.memory_space<hbm>>
      tpu.enqueue_dma source(%dma_start3A_287 : memref<2x128xi32, #tpu.memory_space<hbm>>) target(%arg6 : memref<2x128xi32, #tpu.memory_space<vmem>>) target_semaphore(%arg12 : memref<!tpu.dma_semaphore, #tpu.memory_space<semaphore_mem>>)
      %dma_wait3A_288 = arith.constant 0 : i32
      %dma_wait3A_289 = arith.constant 0 : i32
      %dma_wait3A_290 = tpu.memref_slice %arg2[%mul3A_6, %dma_wait3A_288, %dma_wait3A_289] : memref<2564x2x128xi32, #tpu.memory_space<hbm>> -> memref<1x2x128xi32, #tpu.memory_space<hbm>>
      %dma_wait3A_291 = tpu.memref_squeeze %dma_wait3A_290 : memref<1x2x128xi32, #tpu.memory_space<hbm>> -> memref<2x128xi32, #tpu.memory_space<hbm>>
      %dma_wait3A_292 = arith.constant 0 : i32
      %dma_wait3A_293 = arith.constant 0 : i32
      %dma_wait3A_294 = tpu.memref_slice %arg2[%mul3A_6, %dma_wait3A_292, %dma_wait3A_293] : memref<2564x2x128xi32, #tpu.memory_space<hbm>> -> memref<1x2x128xi32, #tpu.memory_space<hbm>>
      %dma_wait3A_295 = tpu.memref_squeeze %dma_wait3A_294 : memref<1x2x128xi32, #tpu.memory_space<hbm>> -> memref<2x128xi32, #tpu.memory_space<hbm>>
      tpu.wait_dma2 semaphore(%arg14 : memref<!tpu.dma_semaphore, #tpu.memory_space<semaphore_mem>>) src(%dma_wait3A_295 : memref<2x128xi32, #tpu.memory_space<hbm>>) dst(%arg8 : memref<2x128xi32, #tpu.memory_space<vmem>>)
      %dma_start3A_296 = arith.constant 1 : i32
      %dma_start3A_297 = arith.constant 0 : i32
      %dma_start3A_298 = tpu.memref_slice %arg8[%dma_start3A_296, %dma_start3A_297] : memref<2x128xi32, #tpu.memory_space<vmem>> -> memref<1x128xi32, #tpu.memory_space<vmem>>
      %dma_start3A_299 = tpu.memref_squeeze %dma_start3A_298 : memref<1x128xi32, #tpu.memory_space<vmem>> -> memref<128xi32, #tpu.memory_space<vmem>>
      %dma_start3A_300 = arith.constant 0 : i32
      %dma_start3A_301 = arith.constant 0 : i32
      %dma_start3A_302 = tpu.memref_slice %arg11[%dma_start3A_300, %dma_start3A_301] : memref<10112x128xf32, #tpu.memory_space<vmem_shared>> -> memref<10112x128xf32, #tpu.memory_space<vmem_shared>>
      tpu.enqueue_indirect_dma source(%arg10 : memref<128x128xf32, #tpu.memory_space<vmem>>) target(%dma_start3A_302 : memref<10112x128xf32, #tpu.memory_space<vmem_shared>>) offsets(%dma_start3A_299 : memref<128xi32, #tpu.memory_space<vmem>>) semaphore(%arg16 : memref<!tpu.dma_semaphore, #tpu.memory_space<semaphore_mem>>) {add = true}
      %add3A_303 = arith.constant 3 : i32
      %add3A_304 = arith.addi %add3A_200, %add3A_303 : i32
      %dma_wait3A_305 = arith.constant 1 : i32
      %dma_wait3A_306 = arith.constant 0 : i32
      %dma_wait3A_307 = tpu.memref_slice %arg7[%dma_wait3A_305, %dma_wait3A_306] : memref<2x128xi32, #tpu.memory_space<vmem>> -> memref<1x128xi32, #tpu.memory_space<vmem>>
      %dma_wait3A_308 = tpu.memref_squeeze %dma_wait3A_307 : memref<1x128xi32, #tpu.memory_space<vmem>> -> memref<128xi32, #tpu.memory_space<vmem>>
      %dma_wait3A_309 = arith.constant 0 : i32
      %dma_wait3A_310 = arith.constant 0 : i32
      %dma_wait3A_311 = tpu.memref_slice %arg11[%dma_wait3A_309, %dma_wait3A_310] : memref<10112x128xf32, #tpu.memory_space<vmem_shared>> -> memref<10112x128xf32, #tpu.memory_space<vmem_shared>>
      tpu.wait_indirect_dma semaphore(%arg17 : memref<!tpu.dma_semaphore, #tpu.memory_space<semaphore_mem>>) src(%arg10 : memref<128x128xf32, #tpu.memory_space<vmem>>) dst(%dma_wait3A_311 : memref<10112x128xf32, #tpu.memory_space<vmem_shared>>)
      %add3A_312 = arith.constant 2 : i32
      %add3A_313 = arith.addi %add3A_304, %add3A_312 : i32
      %dma_start3A_314 = arith.constant 0 : i32
      %dma_start3A_315 = arith.constant 0 : i32
      %dma_start3A_316 = tpu.memref_slice %arg2[%add3A_313, %dma_start3A_314, %dma_start3A_315] : memref<2564x2x128xi32, #tpu.memory_space<hbm>> -> memref<1x2x128xi32, #tpu.memory_space<hbm>>
      %dma_start3A_317 = tpu.memref_squeeze %dma_start3A_316 : memref<1x2x128xi32, #tpu.memory_space<hbm>> -> memref<2x128xi32, #tpu.memory_space<hbm>>
      %dma_start3A_318 = arith.constant 0 : i32
      %dma_start3A_319 = arith.constant 0 : i32
      %dma_start3A_320 = tpu.memref_slice %arg2[%add3A_313, %dma_start3A_318, %dma_start3A_319] : memref<2564x2x128xi32, #tpu.memory_space<hbm>> -> memref<1x2x128xi32, #tpu.memory_space<hbm>>
      %dma_start3A_321 = tpu.memref_squeeze %dma_start3A_320 : memref<1x2x128xi32, #tpu.memory_space<hbm>> -> memref<2x128xi32, #tpu.memory_space<hbm>>
      tpu.enqueue_dma source(%dma_start3A_321 : memref<2x128xi32, #tpu.memory_space<hbm>>) target(%arg7 : memref<2x128xi32, #tpu.memory_space<vmem>>) target_semaphore(%arg13 : memref<!tpu.dma_semaphore, #tpu.memory_space<semaphore_mem>>)
      %dma_wait3A_322 = arith.constant 0 : i32
      %dma_wait3A_323 = arith.constant 0 : i32
      %dma_wait3A_324 = tpu.memref_slice %arg2[%mul3A_6, %dma_wait3A_322, %dma_wait3A_323] : memref<2564x2x128xi32, #tpu.memory_space<hbm>> -> memref<1x2x128xi32, #tpu.memory_space<hbm>>
      %dma_wait3A_325 = tpu.memref_squeeze %dma_wait3A_324 : memref<1x2x128xi32, #tpu.memory_space<hbm>> -> memref<2x128xi32, #tpu.memory_space<hbm>>
      %dma_wait3A_326 = arith.constant 0 : i32
      %dma_wait3A_327 = arith.constant 0 : i32
      %dma_wait3A_328 = tpu.memref_slice %arg2[%mul3A_6, %dma_wait3A_326, %dma_wait3A_327] : memref<2564x2x128xi32, #tpu.memory_space<hbm>> -> memref<1x2x128xi32, #tpu.memory_space<hbm>>
      %dma_wait3A_329 = tpu.memref_squeeze %dma_wait3A_328 : memref<1x2x128xi32, #tpu.memory_space<hbm>> -> memref<2x128xi32, #tpu.memory_space<hbm>>
      tpu.wait_dma2 semaphore(%arg15 : memref<!tpu.dma_semaphore, #tpu.memory_space<semaphore_mem>>) src(%dma_wait3A_329 : memref<2x128xi32, #tpu.memory_space<hbm>>) dst(%arg9 : memref<2x128xi32, #tpu.memory_space<vmem>>)
      %dma_start3A_330 = arith.constant 1 : i32
      %dma_start3A_331 = arith.constant 0 : i32
      %dma_start3A_332 = tpu.memref_slice %arg9[%dma_start3A_330, %dma_start3A_331] : memref<2x128xi32, #tpu.memory_space<vmem>> -> memref<1x128xi32, #tpu.memory_space<vmem>>
      %dma_start3A_333 = tpu.memref_squeeze %dma_start3A_332 : memref<1x128xi32, #tpu.memory_space<vmem>> -> memref<128xi32, #tpu.memory_space<vmem>>
      %dma_start3A_334 = arith.constant 0 : i32
      %dma_start3A_335 = arith.constant 0 : i32
      %dma_start3A_336 = tpu.memref_slice %arg11[%dma_start3A_334, %dma_start3A_335] : memref<10112x128xf32, #tpu.memory_space<vmem_shared>> -> memref<10112x128xf32, #tpu.memory_space<vmem_shared>>
      tpu.enqueue_indirect_dma source(%arg10 : memref<128x128xf32, #tpu.memory_space<vmem>>) target(%dma_start3A_336 : memref<10112x128xf32, #tpu.memory_space<vmem_shared>>) offsets(%dma_start3A_333 : memref<128xi32, #tpu.memory_space<vmem>>) semaphore(%arg17 : memref<!tpu.dma_semaphore, #tpu.memory_space<semaphore_mem>>) {add = true}
    }
    %dma_wait3A_162 = arith.constant 1 : i32
    %dma_wait3A_163 = arith.constant 0 : i32
    %dma_wait3A_164 = tpu.memref_slice %arg8[%dma_wait3A_162, %dma_wait3A_163] : memref<2x128xi32, #tpu.memory_space<vmem>> -> memref<1x128xi32, #tpu.memory_space<vmem>>
    %dma_wait3A_165 = tpu.memref_squeeze %dma_wait3A_164 : memref<1x128xi32, #tpu.memory_space<vmem>> -> memref<128xi32, #tpu.memory_space<vmem>>
    %dma_wait3A_166 = arith.constant 0 : i32
    %dma_wait3A_167 = arith.constant 0 : i32
    %dma_wait3A_168 = tpu.memref_slice %arg11[%dma_wait3A_166, %dma_wait3A_167] : memref<10112x128xf32, #tpu.memory_space<vmem_shared>> -> memref<10112x128xf32, #tpu.memory_space<vmem_shared>>
    tpu.wait_indirect_dma semaphore(%arg16 : memref<!tpu.dma_semaphore, #tpu.memory_space<semaphore_mem>>) src(%arg10 : memref<128x128xf32, #tpu.memory_space<vmem>>) dst(%dma_wait3A_168 : memref<10112x128xf32, #tpu.memory_space<vmem_shared>>)
    %dma_wait3A_169 = arith.constant 1 : i32
    %dma_wait3A_170 = arith.constant 0 : i32
    %dma_wait3A_171 = tpu.memref_slice %arg9[%dma_wait3A_169, %dma_wait3A_170] : memref<2x128xi32, #tpu.memory_space<vmem>> -> memref<1x128xi32, #tpu.memory_space<vmem>>
    %dma_wait3A_172 = tpu.memref_squeeze %dma_wait3A_171 : memref<1x128xi32, #tpu.memory_space<vmem>> -> memref<128xi32, #tpu.memory_space<vmem>>
    %dma_wait3A_173 = arith.constant 0 : i32
    %dma_wait3A_174 = arith.constant 0 : i32
    %dma_wait3A_175 = tpu.memref_slice %arg11[%dma_wait3A_173, %dma_wait3A_174] : memref<10112x128xf32, #tpu.memory_space<vmem_shared>> -> memref<10112x128xf32, #tpu.memory_space<vmem_shared>>
    tpu.wait_indirect_dma semaphore(%arg17 : memref<!tpu.dma_semaphore, #tpu.memory_space<semaphore_mem>>) src(%arg10 : memref<128x128xf32, #tpu.memory_space<vmem>>) dst(%dma_wait3A_175 : memref<10112x128xf32, #tpu.memory_space<vmem_shared>>)
    %dma_wait3A_176 = arith.constant 0 : i32
    %dma_wait3A_177 = arith.constant 0 : i32
    %dma_wait3A_178 = tpu.memref_slice %arg2[%mul3A_6, %dma_wait3A_176, %dma_wait3A_177] : memref<2564x2x128xi32, #tpu.memory_space<hbm>> -> memref<1x2x128xi32, #tpu.memory_space<hbm>>
    %dma_wait3A_179 = tpu.memref_squeeze %dma_wait3A_178 : memref<1x2x128xi32, #tpu.memory_space<hbm>> -> memref<2x128xi32, #tpu.memory_space<hbm>>
    %dma_wait3A_180 = arith.constant 0 : i32
    %dma_wait3A_181 = arith.constant 0 : i32
    %dma_wait3A_182 = tpu.memref_slice %arg2[%mul3A_6, %dma_wait3A_180, %dma_wait3A_181] : memref<2564x2x128xi32, #tpu.memory_space<hbm>> -> memref<1x2x128xi32, #tpu.memory_space<hbm>>
    %dma_wait3A_183 = tpu.memref_squeeze %dma_wait3A_182 : memref<1x2x128xi32, #tpu.memory_space<hbm>> -> memref<2x128xi32, #tpu.memory_space<hbm>>
    tpu.wait_dma2 semaphore(%arg12 : memref<!tpu.dma_semaphore, #tpu.memory_space<semaphore_mem>>) src(%dma_wait3A_183 : memref<2x128xi32, #tpu.memory_space<hbm>>) dst(%arg6 : memref<2x128xi32, #tpu.memory_space<vmem>>)
    %dma_wait3A_184 = arith.constant 0 : i32
    %dma_wait3A_185 = arith.constant 0 : i32
    %dma_wait3A_186 = tpu.memref_slice %arg2[%mul3A_6, %dma_wait3A_184, %dma_wait3A_185] : memref<2564x2x128xi32, #tpu.memory_space<hbm>> -> memref<1x2x128xi32, #tpu.memory_space<hbm>>
    %dma_wait3A_187 = tpu.memref_squeeze %dma_wait3A_186 : memref<1x2x128xi32, #tpu.memory_space<hbm>> -> memref<2x128xi32, #tpu.memory_space<hbm>>
    %dma_wait3A_188 = arith.constant 0 : i32
    %dma_wait3A_189 = arith.constant 0 : i32
    %dma_wait3A_190 = tpu.memref_slice %arg2[%mul3A_6, %dma_wait3A_188, %dma_wait3A_189] : memref<2564x2x128xi32, #tpu.memory_space<hbm>> -> memref<1x2x128xi32, #tpu.memory_space<hbm>>
    %dma_wait3A_191 = tpu.memref_squeeze %dma_wait3A_190 : memref<1x2x128xi32, #tpu.memory_space<hbm>> -> memref<2x128xi32, #tpu.memory_space<hbm>>
    tpu.wait_dma2 semaphore(%arg13 : memref<!tpu.dma_semaphore, #tpu.memory_space<semaphore_mem>>) src(%dma_wait3A_191 : memref<2x128xi32, #tpu.memory_space<hbm>>) dst(%arg7 : memref<2x128xi32, #tpu.memory_space<vmem>>)
    %barrier3A_192 = arith.constant 0 : index
    tpu.barrier barrier_id(%barrier3A_192)
    %mul3A_193 = arith.constant 632 : i32
    %mul3A_194 = arith.muli %arg1, %mul3A_193 : i32
    %mul3A_195 = arith.constant 632 : i32
    %mul3A_196 = arith.muli %arg1, %mul3A_195 : i32
    "tpu.region"() ({
      %run_scoped3A = tpu.sem_alloc : memref<!tpu.dma_semaphore, #tpu.memory_space<semaphore_mem>>
      %dma_start3A_197 = arith.constant 0 : i32
      %dma_start3A_198 = tpu.memref_slice %arg5[%arg0, %mul3A_196, %dma_start3A_197] : memref<2x10112x128xf32, #tpu.memory_space<hbm>> -> memref<1x632x128xf32, #tpu.memory_space<hbm>>
      %dma_start3A_199 = tpu.memref_squeeze %dma_start3A_198 : memref<1x632x128xf32, #tpu.memory_space<hbm>> -> memref<632x128xf32, #tpu.memory_space<hbm>>
      %dma_start3A_200 = arith.constant 0 : i32
      %dma_start3A_201 = tpu.memref_slice %arg11[%mul3A_194, %dma_start3A_200] : memref<10112x128xf32, #tpu.memory_space<vmem_shared>> -> memref<632x128xf32, #tpu.memory_space<vmem_shared>>
      tpu.enqueue_dma source(%dma_start3A_201 : memref<632x128xf32, #tpu.memory_space<vmem_shared>>) target(%dma_start3A_199 : memref<632x128xf32, #tpu.memory_space<hbm>>) target_semaphore(%run_scoped3A : memref<!tpu.dma_semaphore, #tpu.memory_space<semaphore_mem>>)
      %dma_wait3A_202 = arith.constant 0 : i32
      %dma_wait3A_203 = tpu.memref_slice %arg5[%arg0, %mul3A_196, %dma_wait3A_202] : memref<2x10112x128xf32, #tpu.memory_space<hbm>> -> memref<1x632x128xf32, #tpu.memory_space<hbm>>
      %dma_wait3A_204 = tpu.memref_squeeze %dma_wait3A_203 : memref<1x632x128xf32, #tpu.memory_space<hbm>> -> memref<632x128xf32, #tpu.memory_space<hbm>>
      %dma_wait3A_205 = arith.constant 0 : i32
      %dma_wait3A_206 = tpu.memref_slice %arg11[%mul3A_194, %dma_wait3A_205] : memref<10112x128xf32, #tpu.memory_space<vmem_shared>> -> memref<632x128xf32, #tpu.memory_space<vmem_shared>>
      tpu.wait_dma2 semaphore(%run_scoped3A : memref<!tpu.dma_semaphore, #tpu.memory_space<semaphore_mem>>) src(%dma_wait3A_206 : memref<632x128xf32, #tpu.memory_space<vmem_shared>>) dst(%dma_wait3A_204 : memref<632x128xf32, #tpu.memory_space<hbm>>)
      tpu.yield
    }) : () -> ()
    return
  }
}

#map = affine_map<(d0, d1) -> (0, 0)>
#map1 = affine_map<(d0, d1) -> (0, 0, 0)>
module attributes {stable_mosaic.version = 14 : i64} {
  func.func @scatter_kernel(%arg0: i32, %arg1: i32, %arg2: memref<10000x128xf32, #tpu.memory_space<hbm>>, %arg3: memref<2564x2x128xi32, #tpu.memory_space<hbm>>, %arg4: memref<10112x128xf32, #tpu.memory_space<hbm>>, %arg5: memref<2x10112x128xf32, #tpu.memory_space<hbm>>, %arg6: memref<2x128xi32, #tpu.memory_space<vmem>>, %arg7: memref<2x128xi32, #tpu.memory_space<vmem>>, %arg8: memref<2x128xi32, #tpu.memory_space<vmem>>, %arg9: memref<2x128xi32, #tpu.memory_space<vmem>>, %arg10: memref<128x128xf32, #tpu.memory_space<vmem>>, %arg11: memref<128x128xf32, #tpu.memory_space<vmem>>, %arg12: memref<10112x128xf32, #tpu.memory_space<vmem_shared>>, %arg13: memref<!tpu.dma_semaphore, #tpu.memory_space<semaphore_mem>>, %arg14: memref<!tpu.dma_semaphore, #tpu.memory_space<semaphore_mem>>, %arg15: memref<!tpu.dma_semaphore, #tpu.memory_space<semaphore_mem>>, %arg16: memref<!tpu.dma_semaphore, #tpu.memory_space<semaphore_mem>>, %arg17: memref<!tpu.dma_semaphore, #tpu.memory_space<semaphore_mem>>, %arg18: memref<!tpu.dma_semaphore, #tpu.memory_space<semaphore_mem>>, %arg19: memref<!tpu.dma_semaphore, #tpu.memory_space<semaphore_mem>>, %arg20: memref<!tpu.dma_semaphore, #tpu.memory_space<semaphore_mem>>) attributes {dimension_semantics = [#tpu.dimension_semantics<core_parallel>, #tpu.dimension_semantics<subcore_parallel>], iteration_bounds = array<i64: 2, 16>, scalar_prefetch = 0 : i64, scratch_operands = 15 : i64, tpu.core_type = #tpu.core_type<sc_vector_subcore>, window_params = [{transform_indices = #map}, {transform_indices = #map1}, {transform_indices = #map}, {transform_indices = #map1}]} {
    %mul3A = arith.constant 100 : i32
    %mul3A_0 = arith.muli %arg1, %mul3A : i32
    %mul3A_1 = arith.constant 632 : i32
    %mul3A_2 = arith.muli %arg1, %mul3A_1 : i32
    %mul3A_3 = arith.constant 632 : i32
    %mul3A_4 = arith.muli %arg1, %mul3A_3 : i32
    "tpu.region"() ({
      %run_scoped3A = tpu.sem_alloc : memref<!tpu.dma_semaphore, #tpu.memory_space<semaphore_mem>>
      %dma_start3A = arith.constant 0 : i32
      %dma_start3A_36 = tpu.memref_slice %arg12[%mul3A_4, %dma_start3A] : memref<10112x128xf32, #tpu.memory_space<vmem_shared>> -> memref<632x128xf32, #tpu.memory_space<vmem_shared>>
      %dma_start3A_37 = arith.constant 0 : i32
      %dma_start3A_38 = tpu.memref_slice %arg4[%mul3A_2, %dma_start3A_37] : memref<10112x128xf32, #tpu.memory_space<hbm>> -> memref<632x128xf32, #tpu.memory_space<hbm>>
      tpu.enqueue_dma source(%dma_start3A_38 : memref<632x128xf32, #tpu.memory_space<hbm>>) target(%dma_start3A_36 : memref<632x128xf32, #tpu.memory_space<vmem_shared>>) target_semaphore(%run_scoped3A : memref<!tpu.dma_semaphore, #tpu.memory_space<semaphore_mem>>)
      %dma_wait3A = arith.constant 0 : i32
      %dma_wait3A_39 = tpu.memref_slice %arg12[%mul3A_4, %dma_wait3A] : memref<10112x128xf32, #tpu.memory_space<vmem_shared>> -> memref<632x128xf32, #tpu.memory_space<vmem_shared>>
      %dma_wait3A_40 = arith.constant 0 : i32
      %dma_wait3A_41 = tpu.memref_slice %arg4[%mul3A_2, %dma_wait3A_40] : memref<10112x128xf32, #tpu.memory_space<hbm>> -> memref<632x128xf32, #tpu.memory_space<hbm>>
      tpu.wait_dma2 semaphore(%run_scoped3A : memref<!tpu.dma_semaphore, #tpu.memory_space<semaphore_mem>>) src(%dma_wait3A_41 : memref<632x128xf32, #tpu.memory_space<hbm>>) dst(%dma_wait3A_39 : memref<632x128xf32, #tpu.memory_space<vmem_shared>>)
      tpu.yield
    }) : () -> ()
    %barrier3A = arith.constant 0 : index
    tpu.barrier barrier_id(%barrier3A)
    %eq3A = arith.constant 0 : i32
    %eq3A_5 = arith.cmpi eq, %arg0, %eq3A : i32
    %jit3A = arith.constant 100 : i32
    %jit3A_6 = arith.constant 60 : i32
    %select_n3A = arith.select %eq3A_5, %jit3A, %jit3A_6 : i32
    %eq3A_7 = arith.constant 0 : i32
    %eq3A_8 = arith.cmpi eq, %arg0, %eq3A_7 : i32
    %mul3A_9 = arith.constant 100 : i32
    %mul3A_10 = arith.muli %arg1, %mul3A_9 : i32
    %mul3A_11 = arith.constant 60 : i32
    %mul3A_12 = arith.muli %arg1, %mul3A_11 : i32
    %add3A = arith.constant 1600 : i32
    %add3A_13 = arith.addi %add3A, %mul3A_12 : i32
    %select_n3A_14 = arith.select %eq3A_8, %mul3A_10, %add3A_13 : i32
    %sub3A = arith.constant 0 : i32
    %sub3A_15 = arith.subi %select_n3A, %sub3A : i32
    %sub3A_16 = arith.constant 1 : i32
    %sub3A_17 = arith.constant 1 : i32
    %sub3A_18 = arith.subi %sub3A_16, %sub3A_17 : i32
    %add3A_19 = arith.addi %sub3A_15, %sub3A_18 : i32
    %div3A = arith.constant 1 : i32
    %div3A_20 = arith.divsi %add3A_19, %div3A : i32
    %while3A = arith.constant 1 : i32
    %while3A_21 = arith.constant 0 : i32
    %while3A_22 = arith.constant 0 : i32
    %while3A_23 = arith.subi %div3A_20, %while3A_22 : i32
    %while3A_24 = arith.addi %while3A_22, %while3A_23 : i32
    %while3A_25 = arith.constant 1 : i32
    %while3A_26 = arith.divsi %while3A_23, %while3A_25 : i32
    %while3A_27 = arith.muli %while3A_26, %while3A_25 : i32
    %while3A_28 = arith.addi %while3A_22, %while3A_27 : i32
    %while3A_29 = arith.constant 1 : i32
    scf.for %while3A_36 = %while3A_22 to %while3A_28 step %while3A_29  : i32 {
      %mul3A_37 = arith.muli %while3A_36, %while3A : i32
      %add3A_38 = arith.addi %while3A_21, %mul3A_37 : i32
      %add3A_39 = arith.addi %select_n3A_14, %add3A_38 : i32
      %dma_start3A = arith.constant 0 : i32
      %dma_start3A_40 = arith.constant 0 : i32
      %dma_start3A_41 = tpu.memref_slice %arg3[%add3A_39, %dma_start3A, %dma_start3A_40] : memref<2564x2x128xi32, #tpu.memory_space<hbm>> -> memref<1x2x128xi32, #tpu.memory_space<hbm>>
      %dma_start3A_42 = tpu.memref_squeeze %dma_start3A_41 : memref<1x2x128xi32, #tpu.memory_space<hbm>> -> memref<2x128xi32, #tpu.memory_space<hbm>>
      %dma_start3A_43 = arith.constant 0 : i32
      %dma_start3A_44 = arith.constant 0 : i32
      %dma_start3A_45 = tpu.memref_slice %arg3[%add3A_39, %dma_start3A_43, %dma_start3A_44] : memref<2564x2x128xi32, #tpu.memory_space<hbm>> -> memref<1x2x128xi32, #tpu.memory_space<hbm>>
      %dma_start3A_46 = tpu.memref_squeeze %dma_start3A_45 : memref<1x2x128xi32, #tpu.memory_space<hbm>> -> memref<2x128xi32, #tpu.memory_space<hbm>>
      tpu.enqueue_dma source(%dma_start3A_46 : memref<2x128xi32, #tpu.memory_space<hbm>>) target(%arg6 : memref<2x128xi32, #tpu.memory_space<vmem>>) target_semaphore(%arg13 : memref<!tpu.dma_semaphore, #tpu.memory_space<semaphore_mem>>)
      %dma_wait3A = arith.constant 0 : i32
      %dma_wait3A_47 = arith.constant 0 : i32
      %dma_wait3A_48 = tpu.memref_slice %arg3[%add3A_39, %dma_wait3A, %dma_wait3A_47] : memref<2564x2x128xi32, #tpu.memory_space<hbm>> -> memref<1x2x128xi32, #tpu.memory_space<hbm>>
      %dma_wait3A_49 = tpu.memref_squeeze %dma_wait3A_48 : memref<1x2x128xi32, #tpu.memory_space<hbm>> -> memref<2x128xi32, #tpu.memory_space<hbm>>
      %dma_wait3A_50 = arith.constant 0 : i32
      %dma_wait3A_51 = arith.constant 0 : i32
      %dma_wait3A_52 = tpu.memref_slice %arg3[%add3A_39, %dma_wait3A_50, %dma_wait3A_51] : memref<2564x2x128xi32, #tpu.memory_space<hbm>> -> memref<1x2x128xi32, #tpu.memory_space<hbm>>
      %dma_wait3A_53 = tpu.memref_squeeze %dma_wait3A_52 : memref<1x2x128xi32, #tpu.memory_space<hbm>> -> memref<2x128xi32, #tpu.memory_space<hbm>>
      tpu.wait_dma2 semaphore(%arg13 : memref<!tpu.dma_semaphore, #tpu.memory_space<semaphore_mem>>) src(%dma_wait3A_53 : memref<2x128xi32, #tpu.memory_space<hbm>>) dst(%arg6 : memref<2x128xi32, #tpu.memory_space<vmem>>)
      %dma_start3A_54 = arith.constant 0 : i32
      %dma_start3A_55 = arith.constant 0 : i32
      %dma_start3A_56 = tpu.memref_slice %arg6[%dma_start3A_54, %dma_start3A_55] : memref<2x128xi32, #tpu.memory_space<vmem>> -> memref<1x128xi32, #tpu.memory_space<vmem>>
      %dma_start3A_57 = tpu.memref_squeeze %dma_start3A_56 : memref<1x128xi32, #tpu.memory_space<vmem>> -> memref<128xi32, #tpu.memory_space<vmem>>
      %dma_start3A_58 = arith.constant 0 : i32
      %dma_start3A_59 = arith.constant 0 : i32
      %dma_start3A_60 = tpu.memref_slice %arg2[%dma_start3A_58, %dma_start3A_59] : memref<10000x128xf32, #tpu.memory_space<hbm>> -> memref<10000x128xf32, #tpu.memory_space<hbm>>
      tpu.enqueue_indirect_dma source(%dma_start3A_60 : memref<10000x128xf32, #tpu.memory_space<hbm>>) target(%arg10 : memref<128x128xf32, #tpu.memory_space<vmem>>) offsets(%dma_start3A_57 : memref<128xi32, #tpu.memory_space<vmem>>) semaphore(%arg17 : memref<!tpu.dma_semaphore, #tpu.memory_space<semaphore_mem>>)
      %dma_wait3A_61 = arith.constant 0 : i32
      %dma_wait3A_62 = arith.constant 0 : i32
      %dma_wait3A_63 = tpu.memref_slice %arg6[%dma_wait3A_61, %dma_wait3A_62] : memref<2x128xi32, #tpu.memory_space<vmem>> -> memref<1x128xi32, #tpu.memory_space<vmem>>
      %dma_wait3A_64 = tpu.memref_squeeze %dma_wait3A_63 : memref<1x128xi32, #tpu.memory_space<vmem>> -> memref<128xi32, #tpu.memory_space<vmem>>
      %dma_wait3A_65 = arith.constant 0 : i32
      %dma_wait3A_66 = arith.constant 0 : i32
      %dma_wait3A_67 = tpu.memref_slice %arg2[%dma_wait3A_65, %dma_wait3A_66] : memref<10000x128xf32, #tpu.memory_space<hbm>> -> memref<10000x128xf32, #tpu.memory_space<hbm>>
      tpu.wait_indirect_dma semaphore(%arg17 : memref<!tpu.dma_semaphore, #tpu.memory_space<semaphore_mem>>) src(%dma_wait3A_67 : memref<10000x128xf32, #tpu.memory_space<hbm>>) dst(%arg10 : memref<128x128xf32, #tpu.memory_space<vmem>>)
      %run_scoped3A = arith.constant 1 : i32
      "tpu.region"() ({
        %run_scoped3A_68 = tpu.sem_alloc : memref<!tpu.dma_semaphore, #tpu.memory_space<semaphore_mem>>
        %dma_start3A_69 = arith.constant 0 : i32
        %dma_start3A_70 = tpu.memref_slice %arg6[%run_scoped3A, %dma_start3A_69] : memref<2x128xi32, #tpu.memory_space<vmem>> -> memref<1x128xi32, #tpu.memory_space<vmem>>
        %dma_start3A_71 = tpu.memref_squeeze %dma_start3A_70 : memref<1x128xi32, #tpu.memory_space<vmem>> -> memref<128xi32, #tpu.memory_space<vmem>>
        %dma_start3A_72 = arith.constant 0 : i32
        %dma_start3A_73 = arith.constant 0 : i32
        %dma_start3A_74 = tpu.memref_slice %arg12[%dma_start3A_72, %dma_start3A_73] : memref<10112x128xf32, #tpu.memory_space<vmem_shared>> -> memref<10112x128xf32, #tpu.memory_space<vmem_shared>>
        tpu.enqueue_indirect_dma source(%arg10 : memref<128x128xf32, #tpu.memory_space<vmem>>) target(%dma_start3A_74 : memref<10112x128xf32, #tpu.memory_space<vmem_shared>>) offsets(%dma_start3A_71 : memref<128xi32, #tpu.memory_space<vmem>>) semaphore(%run_scoped3A_68 : memref<!tpu.dma_semaphore, #tpu.memory_space<semaphore_mem>>) {add = true}
        %dma_wait3A_75 = arith.constant 0 : i32
        %dma_wait3A_76 = tpu.memref_slice %arg6[%run_scoped3A, %dma_wait3A_75] : memref<2x128xi32, #tpu.memory_space<vmem>> -> memref<1x128xi32, #tpu.memory_space<vmem>>
        %dma_wait3A_77 = tpu.memref_squeeze %dma_wait3A_76 : memref<1x128xi32, #tpu.memory_space<vmem>> -> memref<128xi32, #tpu.memory_space<vmem>>
        %dma_wait3A_78 = arith.constant 0 : i32
        %dma_wait3A_79 = arith.constant 0 : i32
        %dma_wait3A_80 = tpu.memref_slice %arg12[%dma_wait3A_78, %dma_wait3A_79] : memref<10112x128xf32, #tpu.memory_space<vmem_shared>> -> memref<10112x128xf32, #tpu.memory_space<vmem_shared>>
        tpu.wait_indirect_dma semaphore(%run_scoped3A_68 : memref<!tpu.dma_semaphore, #tpu.memory_space<semaphore_mem>>) src(%arg10 : memref<128x128xf32, #tpu.memory_space<vmem>>) dst(%dma_wait3A_80 : memref<10112x128xf32, #tpu.memory_space<vmem_shared>>)
        tpu.yield
      }) : () -> ()
    }
    %while3A_30 = arith.constant 1 : i32
    scf.for %while3A_36 = %while3A_28 to %while3A_24 step %while3A_30  : i32 {
      %mul3A_37 = arith.muli %while3A_36, %while3A : i32
      %add3A_38 = arith.addi %while3A_21, %mul3A_37 : i32
      %add3A_39 = arith.addi %select_n3A_14, %add3A_38 : i32
      %dma_start3A = arith.constant 0 : i32
      %dma_start3A_40 = arith.constant 0 : i32
      %dma_start3A_41 = tpu.memref_slice %arg3[%add3A_39, %dma_start3A, %dma_start3A_40] : memref<2564x2x128xi32, #tpu.memory_space<hbm>> -> memref<1x2x128xi32, #tpu.memory_space<hbm>>
      %dma_start3A_42 = tpu.memref_squeeze %dma_start3A_41 : memref<1x2x128xi32, #tpu.memory_space<hbm>> -> memref<2x128xi32, #tpu.memory_space<hbm>>
      %dma_start3A_43 = arith.constant 0 : i32
      %dma_start3A_44 = arith.constant 0 : i32
      %dma_start3A_45 = tpu.memref_slice %arg3[%add3A_39, %dma_start3A_43, %dma_start3A_44] : memref<2564x2x128xi32, #tpu.memory_space<hbm>> -> memref<1x2x128xi32, #tpu.memory_space<hbm>>
      %dma_start3A_46 = tpu.memref_squeeze %dma_start3A_45 : memref<1x2x128xi32, #tpu.memory_space<hbm>> -> memref<2x128xi32, #tpu.memory_space<hbm>>
      tpu.enqueue_dma source(%dma_start3A_46 : memref<2x128xi32, #tpu.memory_space<hbm>>) target(%arg6 : memref<2x128xi32, #tpu.memory_space<vmem>>) target_semaphore(%arg13 : memref<!tpu.dma_semaphore, #tpu.memory_space<semaphore_mem>>)
      %dma_wait3A = arith.constant 0 : i32
      %dma_wait3A_47 = arith.constant 0 : i32
      %dma_wait3A_48 = tpu.memref_slice %arg3[%add3A_39, %dma_wait3A, %dma_wait3A_47] : memref<2564x2x128xi32, #tpu.memory_space<hbm>> -> memref<1x2x128xi32, #tpu.memory_space<hbm>>
      %dma_wait3A_49 = tpu.memref_squeeze %dma_wait3A_48 : memref<1x2x128xi32, #tpu.memory_space<hbm>> -> memref<2x128xi32, #tpu.memory_space<hbm>>
      %dma_wait3A_50 = arith.constant 0 : i32
      %dma_wait3A_51 = arith.constant 0 : i32
      %dma_wait3A_52 = tpu.memref_slice %arg3[%add3A_39, %dma_wait3A_50, %dma_wait3A_51] : memref<2564x2x128xi32, #tpu.memory_space<hbm>> -> memref<1x2x128xi32, #tpu.memory_space<hbm>>
      %dma_wait3A_53 = tpu.memref_squeeze %dma_wait3A_52 : memref<1x2x128xi32, #tpu.memory_space<hbm>> -> memref<2x128xi32, #tpu.memory_space<hbm>>
      tpu.wait_dma2 semaphore(%arg13 : memref<!tpu.dma_semaphore, #tpu.memory_space<semaphore_mem>>) src(%dma_wait3A_53 : memref<2x128xi32, #tpu.memory_space<hbm>>) dst(%arg6 : memref<2x128xi32, #tpu.memory_space<vmem>>)
      %dma_start3A_54 = arith.constant 0 : i32
      %dma_start3A_55 = arith.constant 0 : i32
      %dma_start3A_56 = tpu.memref_slice %arg6[%dma_start3A_54, %dma_start3A_55] : memref<2x128xi32, #tpu.memory_space<vmem>> -> memref<1x128xi32, #tpu.memory_space<vmem>>
      %dma_start3A_57 = tpu.memref_squeeze %dma_start3A_56 : memref<1x128xi32, #tpu.memory_space<vmem>> -> memref<128xi32, #tpu.memory_space<vmem>>
      %dma_start3A_58 = arith.constant 0 : i32
      %dma_start3A_59 = arith.constant 0 : i32
      %dma_start3A_60 = tpu.memref_slice %arg2[%dma_start3A_58, %dma_start3A_59] : memref<10000x128xf32, #tpu.memory_space<hbm>> -> memref<10000x128xf32, #tpu.memory_space<hbm>>
      tpu.enqueue_indirect_dma source(%dma_start3A_60 : memref<10000x128xf32, #tpu.memory_space<hbm>>) target(%arg10 : memref<128x128xf32, #tpu.memory_space<vmem>>) offsets(%dma_start3A_57 : memref<128xi32, #tpu.memory_space<vmem>>) semaphore(%arg17 : memref<!tpu.dma_semaphore, #tpu.memory_space<semaphore_mem>>)
      %dma_wait3A_61 = arith.constant 0 : i32
      %dma_wait3A_62 = arith.constant 0 : i32
      %dma_wait3A_63 = tpu.memref_slice %arg6[%dma_wait3A_61, %dma_wait3A_62] : memref<2x128xi32, #tpu.memory_space<vmem>> -> memref<1x128xi32, #tpu.memory_space<vmem>>
      %dma_wait3A_64 = tpu.memref_squeeze %dma_wait3A_63 : memref<1x128xi32, #tpu.memory_space<vmem>> -> memref<128xi32, #tpu.memory_space<vmem>>
      %dma_wait3A_65 = arith.constant 0 : i32
      %dma_wait3A_66 = arith.constant 0 : i32
      %dma_wait3A_67 = tpu.memref_slice %arg2[%dma_wait3A_65, %dma_wait3A_66] : memref<10000x128xf32, #tpu.memory_space<hbm>> -> memref<10000x128xf32, #tpu.memory_space<hbm>>
      tpu.wait_indirect_dma semaphore(%arg17 : memref<!tpu.dma_semaphore, #tpu.memory_space<semaphore_mem>>) src(%dma_wait3A_67 : memref<10000x128xf32, #tpu.memory_space<hbm>>) dst(%arg10 : memref<128x128xf32, #tpu.memory_space<vmem>>)
      %run_scoped3A = arith.constant 1 : i32
      "tpu.region"() ({
        %run_scoped3A_68 = tpu.sem_alloc : memref<!tpu.dma_semaphore, #tpu.memory_space<semaphore_mem>>
        %dma_start3A_69 = arith.constant 0 : i32
        %dma_start3A_70 = tpu.memref_slice %arg6[%run_scoped3A, %dma_start3A_69] : memref<2x128xi32, #tpu.memory_space<vmem>> -> memref<1x128xi32, #tpu.memory_space<vmem>>
        %dma_start3A_71 = tpu.memref_squeeze %dma_start3A_70 : memref<1x128xi32, #tpu.memory_space<vmem>> -> memref<128xi32, #tpu.memory_space<vmem>>
        %dma_start3A_72 = arith.constant 0 : i32
        %dma_start3A_73 = arith.constant 0 : i32
        %dma_start3A_74 = tpu.memref_slice %arg12[%dma_start3A_72, %dma_start3A_73] : memref<10112x128xf32, #tpu.memory_space<vmem_shared>> -> memref<10112x128xf32, #tpu.memory_space<vmem_shared>>
        tpu.enqueue_indirect_dma source(%arg10 : memref<128x128xf32, #tpu.memory_space<vmem>>) target(%dma_start3A_74 : memref<10112x128xf32, #tpu.memory_space<vmem_shared>>) offsets(%dma_start3A_71 : memref<128xi32, #tpu.memory_space<vmem>>) semaphore(%run_scoped3A_68 : memref<!tpu.dma_semaphore, #tpu.memory_space<semaphore_mem>>) {add = true}
        %dma_wait3A_75 = arith.constant 0 : i32
        %dma_wait3A_76 = tpu.memref_slice %arg6[%run_scoped3A, %dma_wait3A_75] : memref<2x128xi32, #tpu.memory_space<vmem>> -> memref<1x128xi32, #tpu.memory_space<vmem>>
        %dma_wait3A_77 = tpu.memref_squeeze %dma_wait3A_76 : memref<1x128xi32, #tpu.memory_space<vmem>> -> memref<128xi32, #tpu.memory_space<vmem>>
        %dma_wait3A_78 = arith.constant 0 : i32
        %dma_wait3A_79 = arith.constant 0 : i32
        %dma_wait3A_80 = tpu.memref_slice %arg12[%dma_wait3A_78, %dma_wait3A_79] : memref<10112x128xf32, #tpu.memory_space<vmem_shared>> -> memref<10112x128xf32, #tpu.memory_space<vmem_shared>>
        tpu.wait_indirect_dma semaphore(%run_scoped3A_68 : memref<!tpu.dma_semaphore, #tpu.memory_space<semaphore_mem>>) src(%arg10 : memref<128x128xf32, #tpu.memory_space<vmem>>) dst(%dma_wait3A_80 : memref<10112x128xf32, #tpu.memory_space<vmem_shared>>)
        tpu.yield
      }) : () -> ()
    }
    %barrier3A_31 = arith.constant 0 : index
    tpu.barrier barrier_id(%barrier3A_31)
    %mul3A_32 = arith.constant 632 : i32
    %mul3A_33 = arith.muli %arg1, %mul3A_32 : i32
    %mul3A_34 = arith.constant 632 : i32
    %mul3A_35 = arith.muli %arg1, %mul3A_34 : i32
    "tpu.region"() ({
      %run_scoped3A = tpu.sem_alloc : memref<!tpu.dma_semaphore, #tpu.memory_space<semaphore_mem>>
      %dma_start3A = arith.constant 0 : i32
      %dma_start3A_36 = tpu.memref_slice %arg5[%arg0, %mul3A_35, %dma_start3A] : memref<2x10112x128xf32, #tpu.memory_space<hbm>> -> memref<1x632x128xf32, #tpu.memory_space<hbm>>
      %dma_start3A_37 = tpu.memref_squeeze %dma_start3A_36 : memref<1x632x128xf32, #tpu.memory_space<hbm>> -> memref<632x128xf32, #tpu.memory_space<hbm>>
      %dma_start3A_38 = arith.constant 0 : i32
      %dma_start3A_39 = tpu.memref_slice %arg12[%mul3A_33, %dma_start3A_38] : memref<10112x128xf32, #tpu.memory_space<vmem_shared>> -> memref<632x128xf32, #tpu.memory_space<vmem_shared>>
      tpu.enqueue_dma source(%dma_start3A_39 : memref<632x128xf32, #tpu.memory_space<vmem_shared>>) target(%dma_start3A_37 : memref<632x128xf32, #tpu.memory_space<hbm>>) target_semaphore(%run_scoped3A : memref<!tpu.dma_semaphore, #tpu.memory_space<semaphore_mem>>)
      %dma_wait3A = arith.constant 0 : i32
      %dma_wait3A_40 = tpu.memref_slice %arg5[%arg0, %mul3A_35, %dma_wait3A] : memref<2x10112x128xf32, #tpu.memory_space<hbm>> -> memref<1x632x128xf32, #tpu.memory_space<hbm>>
      %dma_wait3A_41 = tpu.memref_squeeze %dma_wait3A_40 : memref<1x632x128xf32, #tpu.memory_space<hbm>> -> memref<632x128xf32, #tpu.memory_space<hbm>>
      %dma_wait3A_42 = arith.constant 0 : i32
      %dma_wait3A_43 = tpu.memref_slice %arg12[%mul3A_33, %dma_wait3A_42] : memref<10112x128xf32, #tpu.memory_space<vmem_shared>> -> memref<632x128xf32, #tpu.memory_space<vmem_shared>>
      tpu.wait_dma2 semaphore(%run_scoped3A : memref<!tpu.dma_semaphore, #tpu.memory_space<semaphore_mem>>) src(%dma_wait3A_43 : memref<632x128xf32, #tpu.memory_space<vmem_shared>>) dst(%dma_wait3A_41 : memref<632x128xf32, #tpu.memory_space<hbm>>)
      tpu.yield
    }) : () -> ()
    return
  }
}

#map = affine_map<(d0, d1) -> (0, 0)>
#map1 = affine_map<(d0, d1) -> (0, 0, 0)>
module attributes {stable_mosaic.version = 14 : i64} {
  func.func @scatter_kernel(%arg0: i32, %arg1: i32, %arg2: memref<10000x128xf32, #tpu.memory_space<hbm>>, %arg3: memref<2564x2x128xi32, #tpu.memory_space<hbm>>, %arg4: memref<10112x128xf32, #tpu.memory_space<hbm>>, %arg5: memref<2x10112x128xf32, #tpu.memory_space<hbm>>, %arg6: memref<2x128xi32, #tpu.memory_space<vmem>>, %arg7: memref<2x128xi32, #tpu.memory_space<vmem>>, %arg8: memref<2x128xi32, #tpu.memory_space<vmem>>, %arg9: memref<2x128xi32, #tpu.memory_space<vmem>>, %arg10: memref<128x128xf32, #tpu.memory_space<vmem>>, %arg11: memref<128x128xf32, #tpu.memory_space<vmem>>, %arg12: memref<10112x128xf32, #tpu.memory_space<vmem_shared>>, %arg13: memref<!tpu.dma_semaphore, #tpu.memory_space<semaphore_mem>>, %arg14: memref<!tpu.dma_semaphore, #tpu.memory_space<semaphore_mem>>, %arg15: memref<!tpu.dma_semaphore, #tpu.memory_space<semaphore_mem>>, %arg16: memref<!tpu.dma_semaphore, #tpu.memory_space<semaphore_mem>>, %arg17: memref<!tpu.dma_semaphore, #tpu.memory_space<semaphore_mem>>, %arg18: memref<!tpu.dma_semaphore, #tpu.memory_space<semaphore_mem>>, %arg19: memref<!tpu.dma_semaphore, #tpu.memory_space<semaphore_mem>>, %arg20: memref<!tpu.dma_semaphore, #tpu.memory_space<semaphore_mem>>) attributes {dimension_semantics = [#tpu.dimension_semantics<core_parallel>, #tpu.dimension_semantics<subcore_parallel>], iteration_bounds = array<i64: 2, 16>, scalar_prefetch = 0 : i64, scratch_operands = 15 : i64, tpu.core_type = #tpu.core_type<sc_vector_subcore>, window_params = [{transform_indices = #map}, {transform_indices = #map1}, {transform_indices = #map}, {transform_indices = #map1}]} {
    %mul3A = arith.constant 100 : i32
    %mul3A_0 = arith.muli %arg1, %mul3A : i32
    %mul3A_1 = arith.constant 632 : i32
    %mul3A_2 = arith.muli %arg1, %mul3A_1 : i32
    %mul3A_3 = arith.constant 632 : i32
    %mul3A_4 = arith.muli %arg1, %mul3A_3 : i32
    "tpu.region"() ({
      %run_scoped3A = tpu.sem_alloc : memref<!tpu.dma_semaphore, #tpu.memory_space<semaphore_mem>>
      %dma_start3A = arith.constant 0 : i32
      %dma_start3A_36 = tpu.memref_slice %arg12[%mul3A_4, %dma_start3A] : memref<10112x128xf32, #tpu.memory_space<vmem_shared>> -> memref<632x128xf32, #tpu.memory_space<vmem_shared>>
      %dma_start3A_37 = arith.constant 0 : i32
      %dma_start3A_38 = tpu.memref_slice %arg4[%mul3A_2, %dma_start3A_37] : memref<10112x128xf32, #tpu.memory_space<hbm>> -> memref<632x128xf32, #tpu.memory_space<hbm>>
      tpu.enqueue_dma source(%dma_start3A_38 : memref<632x128xf32, #tpu.memory_space<hbm>>) target(%dma_start3A_36 : memref<632x128xf32, #tpu.memory_space<vmem_shared>>) target_semaphore(%run_scoped3A : memref<!tpu.dma_semaphore, #tpu.memory_space<semaphore_mem>>)
      %dma_wait3A = arith.constant 0 : i32
      %dma_wait3A_39 = tpu.memref_slice %arg12[%mul3A_4, %dma_wait3A] : memref<10112x128xf32, #tpu.memory_space<vmem_shared>> -> memref<632x128xf32, #tpu.memory_space<vmem_shared>>
      %dma_wait3A_40 = arith.constant 0 : i32
      %dma_wait3A_41 = tpu.memref_slice %arg4[%mul3A_2, %dma_wait3A_40] : memref<10112x128xf32, #tpu.memory_space<hbm>> -> memref<632x128xf32, #tpu.memory_space<hbm>>
      tpu.wait_dma2 semaphore(%run_scoped3A : memref<!tpu.dma_semaphore, #tpu.memory_space<semaphore_mem>>) src(%dma_wait3A_41 : memref<632x128xf32, #tpu.memory_space<hbm>>) dst(%dma_wait3A_39 : memref<632x128xf32, #tpu.memory_space<vmem_shared>>)
      tpu.yield
    }) : () -> ()
    %barrier3A = arith.constant 0 : index
    tpu.barrier barrier_id(%barrier3A)
    %eq3A = arith.constant 0 : i32
    %eq3A_5 = arith.cmpi eq, %arg0, %eq3A : i32
    %jit3A = arith.constant 100 : i32
    %jit3A_6 = arith.constant 60 : i32
    %select_n3A = arith.select %eq3A_5, %jit3A, %jit3A_6 : i32
    %eq3A_7 = arith.constant 0 : i32
    %eq3A_8 = arith.cmpi eq, %arg0, %eq3A_7 : i32
    %mul3A_9 = arith.constant 100 : i32
    %mul3A_10 = arith.muli %arg1, %mul3A_9 : i32
    %mul3A_11 = arith.constant 60 : i32
    %mul3A_12 = arith.muli %arg1, %mul3A_11 : i32
    %add3A = arith.constant 1600 : i32
    %add3A_13 = arith.addi %add3A, %mul3A_12 : i32
    %select_n3A_14 = arith.select %eq3A_8, %mul3A_10, %add3A_13 : i32
    %sub3A = arith.constant 0 : i32
    %sub3A_15 = arith.subi %select_n3A, %sub3A : i32
    %sub3A_16 = arith.constant 1 : i32
    %sub3A_17 = arith.constant 1 : i32
    %sub3A_18 = arith.subi %sub3A_16, %sub3A_17 : i32
    %add3A_19 = arith.addi %sub3A_15, %sub3A_18 : i32
    %div3A = arith.constant 1 : i32
    %div3A_20 = arith.divsi %add3A_19, %div3A : i32
    %while3A = arith.constant 1 : i32
    %while3A_21 = arith.constant 0 : i32
    %while3A_22 = arith.constant 0 : i32
    %while3A_23 = arith.subi %div3A_20, %while3A_22 : i32
    %while3A_24 = arith.addi %while3A_22, %while3A_23 : i32
    %while3A_25 = arith.constant 1 : i32
    %while3A_26 = arith.divsi %while3A_23, %while3A_25 : i32
    %while3A_27 = arith.muli %while3A_26, %while3A_25 : i32
    %while3A_28 = arith.addi %while3A_22, %while3A_27 : i32
    %while3A_29 = arith.constant 1 : i32
    scf.for %while3A_36 = %while3A_22 to %while3A_28 step %while3A_29  : i32 {
      %mul3A_37 = arith.muli %while3A_36, %while3A : i32
      %add3A_38 = arith.addi %while3A_21, %mul3A_37 : i32
      %add3A_39 = arith.addi %select_n3A_14, %add3A_38 : i32
      %dma_start3A = arith.constant 0 : i32
      %dma_start3A_40 = arith.constant 0 : i32
      %dma_start3A_41 = tpu.memref_slice %arg3[%add3A_39, %dma_start3A, %dma_start3A_40] : memref<2564x2x128xi32, #tpu.memory_space<hbm>> -> memref<1x2x128xi32, #tpu.memory_space<hbm>>
      %dma_start3A_42 = tpu.memref_squeeze %dma_start3A_41 : memref<1x2x128xi32, #tpu.memory_space<hbm>> -> memref<2x128xi32, #tpu.memory_space<hbm>>
      %dma_start3A_43 = arith.constant 0 : i32
      %dma_start3A_44 = arith.constant 0 : i32
      %dma_start3A_45 = tpu.memref_slice %arg3[%add3A_39, %dma_start3A_43, %dma_start3A_44] : memref<2564x2x128xi32, #tpu.memory_space<hbm>> -> memref<1x2x128xi32, #tpu.memory_space<hbm>>
      %dma_start3A_46 = tpu.memref_squeeze %dma_start3A_45 : memref<1x2x128xi32, #tpu.memory_space<hbm>> -> memref<2x128xi32, #tpu.memory_space<hbm>>
      tpu.enqueue_dma source(%dma_start3A_46 : memref<2x128xi32, #tpu.memory_space<hbm>>) target(%arg6 : memref<2x128xi32, #tpu.memory_space<vmem>>) target_semaphore(%arg13 : memref<!tpu.dma_semaphore, #tpu.memory_space<semaphore_mem>>)
      %dma_wait3A = arith.constant 0 : i32
      %dma_wait3A_47 = arith.constant 0 : i32
      %dma_wait3A_48 = tpu.memref_slice %arg3[%add3A_39, %dma_wait3A, %dma_wait3A_47] : memref<2564x2x128xi32, #tpu.memory_space<hbm>> -> memref<1x2x128xi32, #tpu.memory_space<hbm>>
      %dma_wait3A_49 = tpu.memref_squeeze %dma_wait3A_48 : memref<1x2x128xi32, #tpu.memory_space<hbm>> -> memref<2x128xi32, #tpu.memory_space<hbm>>
      %dma_wait3A_50 = arith.constant 0 : i32
      %dma_wait3A_51 = arith.constant 0 : i32
      %dma_wait3A_52 = tpu.memref_slice %arg3[%add3A_39, %dma_wait3A_50, %dma_wait3A_51] : memref<2564x2x128xi32, #tpu.memory_space<hbm>> -> memref<1x2x128xi32, #tpu.memory_space<hbm>>
      %dma_wait3A_53 = tpu.memref_squeeze %dma_wait3A_52 : memref<1x2x128xi32, #tpu.memory_space<hbm>> -> memref<2x128xi32, #tpu.memory_space<hbm>>
      tpu.wait_dma2 semaphore(%arg13 : memref<!tpu.dma_semaphore, #tpu.memory_space<semaphore_mem>>) src(%dma_wait3A_53 : memref<2x128xi32, #tpu.memory_space<hbm>>) dst(%arg6 : memref<2x128xi32, #tpu.memory_space<vmem>>)
      %dma_start3A_54 = arith.constant 0 : i32
      %dma_start3A_55 = arith.constant 0 : i32
      %dma_start3A_56 = tpu.memref_slice %arg6[%dma_start3A_54, %dma_start3A_55] : memref<2x128xi32, #tpu.memory_space<vmem>> -> memref<1x128xi32, #tpu.memory_space<vmem>>
      %dma_start3A_57 = tpu.memref_squeeze %dma_start3A_56 : memref<1x128xi32, #tpu.memory_space<vmem>> -> memref<128xi32, #tpu.memory_space<vmem>>
      %dma_start3A_58 = arith.constant 0 : i32
      %dma_start3A_59 = arith.constant 0 : i32
      %dma_start3A_60 = tpu.memref_slice %arg2[%dma_start3A_58, %dma_start3A_59] : memref<10000x128xf32, #tpu.memory_space<hbm>> -> memref<10000x128xf32, #tpu.memory_space<hbm>>
      tpu.enqueue_indirect_dma source(%dma_start3A_60 : memref<10000x128xf32, #tpu.memory_space<hbm>>) target(%arg10 : memref<128x128xf32, #tpu.memory_space<vmem>>) offsets(%dma_start3A_57 : memref<128xi32, #tpu.memory_space<vmem>>) semaphore(%arg17 : memref<!tpu.dma_semaphore, #tpu.memory_space<semaphore_mem>>)
      %dma_wait3A_61 = arith.constant 0 : i32
      %dma_wait3A_62 = arith.constant 0 : i32
      %dma_wait3A_63 = tpu.memref_slice %arg6[%dma_wait3A_61, %dma_wait3A_62] : memref<2x128xi32, #tpu.memory_space<vmem>> -> memref<1x128xi32, #tpu.memory_space<vmem>>
      %dma_wait3A_64 = tpu.memref_squeeze %dma_wait3A_63 : memref<1x128xi32, #tpu.memory_space<vmem>> -> memref<128xi32, #tpu.memory_space<vmem>>
      %dma_wait3A_65 = arith.constant 0 : i32
      %dma_wait3A_66 = arith.constant 0 : i32
      %dma_wait3A_67 = tpu.memref_slice %arg2[%dma_wait3A_65, %dma_wait3A_66] : memref<10000x128xf32, #tpu.memory_space<hbm>> -> memref<10000x128xf32, #tpu.memory_space<hbm>>
      tpu.wait_indirect_dma semaphore(%arg17 : memref<!tpu.dma_semaphore, #tpu.memory_space<semaphore_mem>>) src(%dma_wait3A_67 : memref<10000x128xf32, #tpu.memory_space<hbm>>) dst(%arg10 : memref<128x128xf32, #tpu.memory_space<vmem>>)
      %run_scoped3A = arith.constant 1 : i32
      "tpu.region"() ({
        %run_scoped3A_68 = tpu.sem_alloc : memref<!tpu.dma_semaphore, #tpu.memory_space<semaphore_mem>>
        %dma_start3A_69 = arith.constant 0 : i32
        %dma_start3A_70 = tpu.memref_slice %arg6[%run_scoped3A, %dma_start3A_69] : memref<2x128xi32, #tpu.memory_space<vmem>> -> memref<1x128xi32, #tpu.memory_space<vmem>>
        %dma_start3A_71 = tpu.memref_squeeze %dma_start3A_70 : memref<1x128xi32, #tpu.memory_space<vmem>> -> memref<128xi32, #tpu.memory_space<vmem>>
        %dma_start3A_72 = arith.constant 0 : i32
        %dma_start3A_73 = arith.constant 0 : i32
        %dma_start3A_74 = tpu.memref_slice %arg12[%dma_start3A_72, %dma_start3A_73] : memref<10112x128xf32, #tpu.memory_space<vmem_shared>> -> memref<10112x128xf32, #tpu.memory_space<vmem_shared>>
        tpu.enqueue_indirect_dma source(%arg10 : memref<128x128xf32, #tpu.memory_space<vmem>>) target(%dma_start3A_74 : memref<10112x128xf32, #tpu.memory_space<vmem_shared>>) offsets(%dma_start3A_71 : memref<128xi32, #tpu.memory_space<vmem>>) semaphore(%run_scoped3A_68 : memref<!tpu.dma_semaphore, #tpu.memory_space<semaphore_mem>>) {add = true}
        %dma_wait3A_75 = arith.constant 0 : i32
        %dma_wait3A_76 = tpu.memref_slice %arg6[%run_scoped3A, %dma_wait3A_75] : memref<2x128xi32, #tpu.memory_space<vmem>> -> memref<1x128xi32, #tpu.memory_space<vmem>>
        %dma_wait3A_77 = tpu.memref_squeeze %dma_wait3A_76 : memref<1x128xi32, #tpu.memory_space<vmem>> -> memref<128xi32, #tpu.memory_space<vmem>>
        %dma_wait3A_78 = arith.constant 0 : i32
        %dma_wait3A_79 = arith.constant 0 : i32
        %dma_wait3A_80 = tpu.memref_slice %arg12[%dma_wait3A_78, %dma_wait3A_79] : memref<10112x128xf32, #tpu.memory_space<vmem_shared>> -> memref<10112x128xf32, #tpu.memory_space<vmem_shared>>
        tpu.wait_indirect_dma semaphore(%run_scoped3A_68 : memref<!tpu.dma_semaphore, #tpu.memory_space<semaphore_mem>>) src(%arg10 : memref<128x128xf32, #tpu.memory_space<vmem>>) dst(%dma_wait3A_80 : memref<10112x128xf32, #tpu.memory_space<vmem_shared>>)
        tpu.yield
      }) : () -> ()
    }
    %while3A_30 = arith.constant 1 : i32
    scf.for %while3A_36 = %while3A_28 to %while3A_24 step %while3A_30  : i32 {
      %mul3A_37 = arith.muli %while3A_36, %while3A : i32
      %add3A_38 = arith.addi %while3A_21, %mul3A_37 : i32
      %add3A_39 = arith.addi %select_n3A_14, %add3A_38 : i32
      %dma_start3A = arith.constant 0 : i32
      %dma_start3A_40 = arith.constant 0 : i32
      %dma_start3A_41 = tpu.memref_slice %arg3[%add3A_39, %dma_start3A, %dma_start3A_40] : memref<2564x2x128xi32, #tpu.memory_space<hbm>> -> memref<1x2x128xi32, #tpu.memory_space<hbm>>
      %dma_start3A_42 = tpu.memref_squeeze %dma_start3A_41 : memref<1x2x128xi32, #tpu.memory_space<hbm>> -> memref<2x128xi32, #tpu.memory_space<hbm>>
      %dma_start3A_43 = arith.constant 0 : i32
      %dma_start3A_44 = arith.constant 0 : i32
      %dma_start3A_45 = tpu.memref_slice %arg3[%add3A_39, %dma_start3A_43, %dma_start3A_44] : memref<2564x2x128xi32, #tpu.memory_space<hbm>> -> memref<1x2x128xi32, #tpu.memory_space<hbm>>
      %dma_start3A_46 = tpu.memref_squeeze %dma_start3A_45 : memref<1x2x128xi32, #tpu.memory_space<hbm>> -> memref<2x128xi32, #tpu.memory_space<hbm>>
      tpu.enqueue_dma source(%dma_start3A_46 : memref<2x128xi32, #tpu.memory_space<hbm>>) target(%arg6 : memref<2x128xi32, #tpu.memory_space<vmem>>) target_semaphore(%arg13 : memref<!tpu.dma_semaphore, #tpu.memory_space<semaphore_mem>>)
      %dma_wait3A = arith.constant 0 : i32
      %dma_wait3A_47 = arith.constant 0 : i32
      %dma_wait3A_48 = tpu.memref_slice %arg3[%add3A_39, %dma_wait3A, %dma_wait3A_47] : memref<2564x2x128xi32, #tpu.memory_space<hbm>> -> memref<1x2x128xi32, #tpu.memory_space<hbm>>
      %dma_wait3A_49 = tpu.memref_squeeze %dma_wait3A_48 : memref<1x2x128xi32, #tpu.memory_space<hbm>> -> memref<2x128xi32, #tpu.memory_space<hbm>>
      %dma_wait3A_50 = arith.constant 0 : i32
      %dma_wait3A_51 = arith.constant 0 : i32
      %dma_wait3A_52 = tpu.memref_slice %arg3[%add3A_39, %dma_wait3A_50, %dma_wait3A_51] : memref<2564x2x128xi32, #tpu.memory_space<hbm>> -> memref<1x2x128xi32, #tpu.memory_space<hbm>>
      %dma_wait3A_53 = tpu.memref_squeeze %dma_wait3A_52 : memref<1x2x128xi32, #tpu.memory_space<hbm>> -> memref<2x128xi32, #tpu.memory_space<hbm>>
      tpu.wait_dma2 semaphore(%arg13 : memref<!tpu.dma_semaphore, #tpu.memory_space<semaphore_mem>>) src(%dma_wait3A_53 : memref<2x128xi32, #tpu.memory_space<hbm>>) dst(%arg6 : memref<2x128xi32, #tpu.memory_space<vmem>>)
      %dma_start3A_54 = arith.constant 0 : i32
      %dma_start3A_55 = arith.constant 0 : i32
      %dma_start3A_56 = tpu.memref_slice %arg6[%dma_start3A_54, %dma_start3A_55] : memref<2x128xi32, #tpu.memory_space<vmem>> -> memref<1x128xi32, #tpu.memory_space<vmem>>
      %dma_start3A_57 = tpu.memref_squeeze %dma_start3A_56 : memref<1x128xi32, #tpu.memory_space<vmem>> -> memref<128xi32, #tpu.memory_space<vmem>>
      %dma_start3A_58 = arith.constant 0 : i32
      %dma_start3A_59 = arith.constant 0 : i32
      %dma_start3A_60 = tpu.memref_slice %arg2[%dma_start3A_58, %dma_start3A_59] : memref<10000x128xf32, #tpu.memory_space<hbm>> -> memref<10000x128xf32, #tpu.memory_space<hbm>>
      tpu.enqueue_indirect_dma source(%dma_start3A_60 : memref<10000x128xf32, #tpu.memory_space<hbm>>) target(%arg10 : memref<128x128xf32, #tpu.memory_space<vmem>>) offsets(%dma_start3A_57 : memref<128xi32, #tpu.memory_space<vmem>>) semaphore(%arg17 : memref<!tpu.dma_semaphore, #tpu.memory_space<semaphore_mem>>)
      %dma_wait3A_61 = arith.constant 0 : i32
      %dma_wait3A_62 = arith.constant 0 : i32
      %dma_wait3A_63 = tpu.memref_slice %arg6[%dma_wait3A_61, %dma_wait3A_62] : memref<2x128xi32, #tpu.memory_space<vmem>> -> memref<1x128xi32, #tpu.memory_space<vmem>>
      %dma_wait3A_64 = tpu.memref_squeeze %dma_wait3A_63 : memref<1x128xi32, #tpu.memory_space<vmem>> -> memref<128xi32, #tpu.memory_space<vmem>>
      %dma_wait3A_65 = arith.constant 0 : i32
      %dma_wait3A_66 = arith.constant 0 : i32
      %dma_wait3A_67 = tpu.memref_slice %arg2[%dma_wait3A_65, %dma_wait3A_66] : memref<10000x128xf32, #tpu.memory_space<hbm>> -> memref<10000x128xf32, #tpu.memory_space<hbm>>
      tpu.wait_indirect_dma semaphore(%arg17 : memref<!tpu.dma_semaphore, #tpu.memory_space<semaphore_mem>>) src(%dma_wait3A_67 : memref<10000x128xf32, #tpu.memory_space<hbm>>) dst(%arg10 : memref<128x128xf32, #tpu.memory_space<vmem>>)
      %run_scoped3A = arith.constant 1 : i32
      "tpu.region"() ({
        %run_scoped3A_68 = tpu.sem_alloc : memref<!tpu.dma_semaphore, #tpu.memory_space<semaphore_mem>>
        %dma_start3A_69 = arith.constant 0 : i32
        %dma_start3A_70 = tpu.memref_slice %arg6[%run_scoped3A, %dma_start3A_69] : memref<2x128xi32, #tpu.memory_space<vmem>> -> memref<1x128xi32, #tpu.memory_space<vmem>>
        %dma_start3A_71 = tpu.memref_squeeze %dma_start3A_70 : memref<1x128xi32, #tpu.memory_space<vmem>> -> memref<128xi32, #tpu.memory_space<vmem>>
        %dma_start3A_72 = arith.constant 0 : i32
        %dma_start3A_73 = arith.constant 0 : i32
        %dma_start3A_74 = tpu.memref_slice %arg12[%dma_start3A_72, %dma_start3A_73] : memref<10112x128xf32, #tpu.memory_space<vmem_shared>> -> memref<10112x128xf32, #tpu.memory_space<vmem_shared>>
        tpu.enqueue_indirect_dma source(%arg10 : memref<128x128xf32, #tpu.memory_space<vmem>>) target(%dma_start3A_74 : memref<10112x128xf32, #tpu.memory_space<vmem_shared>>) offsets(%dma_start3A_71 : memref<128xi32, #tpu.memory_space<vmem>>) semaphore(%run_scoped3A_68 : memref<!tpu.dma_semaphore, #tpu.memory_space<semaphore_mem>>) {add = true}
        %dma_wait3A_75 = arith.constant 0 : i32
        %dma_wait3A_76 = tpu.memref_slice %arg6[%run_scoped3A, %dma_wait3A_75] : memref<2x128xi32, #tpu.memory_space<vmem>> -> memref<1x128xi32, #tpu.memory_space<vmem>>
        %dma_wait3A_77 = tpu.memref_squeeze %dma_wait3A_76 : memref<1x128xi32, #tpu.memory_space<vmem>> -> memref<128xi32, #tpu.memory_space<vmem>>
        %dma_wait3A_78 = arith.constant 0 : i32
        %dma_wait3A_79 = arith.constant 0 : i32
        %dma_wait3A_80 = tpu.memref_slice %arg12[%dma_wait3A_78, %dma_wait3A_79] : memref<10112x128xf32, #tpu.memory_space<vmem_shared>> -> memref<10112x128xf32, #tpu.memory_space<vmem_shared>>
        tpu.wait_indirect_dma semaphore(%run_scoped3A_68 : memref<!tpu.dma_semaphore, #tpu.memory_space<semaphore_mem>>) src(%arg10 : memref<128x128xf32, #tpu.memory_space<vmem>>) dst(%dma_wait3A_80 : memref<10112x128xf32, #tpu.memory_space<vmem_shared>>)
        tpu.yield
      }) : () -> ()
    }
    %barrier3A_31 = arith.constant 0 : index
    tpu.barrier barrier_id(%barrier3A_31)
    %mul3A_32 = arith.constant 632 : i32
    %mul3A_33 = arith.muli %arg1, %mul3A_32 : i32
    %mul3A_34 = arith.constant 632 : i32
    %mul3A_35 = arith.muli %arg1, %mul3A_34 : i32
    "tpu.region"() ({
      %run_scoped3A = tpu.sem_alloc : memref<!tpu.dma_semaphore, #tpu.memory_space<semaphore_mem>>
      %dma_start3A = arith.constant 0 : i32
      %dma_start3A_36 = tpu.memref_slice %arg5[%arg0, %mul3A_35, %dma_start3A] : memref<2x10112x128xf32, #tpu.memory_space<hbm>> -> memref<1x632x128xf32, #tpu.memory_space<hbm>>
      %dma_start3A_37 = tpu.memref_squeeze %dma_start3A_36 : memref<1x632x128xf32, #tpu.memory_space<hbm>> -> memref<632x128xf32, #tpu.memory_space<hbm>>
      %dma_start3A_38 = arith.constant 0 : i32
      %dma_start3A_39 = tpu.memref_slice %arg12[%mul3A_33, %dma_start3A_38] : memref<10112x128xf32, #tpu.memory_space<vmem_shared>> -> memref<632x128xf32, #tpu.memory_space<vmem_shared>>
      tpu.enqueue_dma source(%dma_start3A_39 : memref<632x128xf32, #tpu.memory_space<vmem_shared>>) target(%dma_start3A_37 : memref<632x128xf32, #tpu.memory_space<hbm>>) target_semaphore(%run_scoped3A : memref<!tpu.dma_semaphore, #tpu.memory_space<semaphore_mem>>)
      %dma_wait3A = arith.constant 0 : i32
      %dma_wait3A_40 = tpu.memref_slice %arg5[%arg0, %mul3A_35, %dma_wait3A] : memref<2x10112x128xf32, #tpu.memory_space<hbm>> -> memref<1x632x128xf32, #tpu.memory_space<hbm>>
      %dma_wait3A_41 = tpu.memref_squeeze %dma_wait3A_40 : memref<1x632x128xf32, #tpu.memory_space<hbm>> -> memref<632x128xf32, #tpu.memory_space<hbm>>
      %dma_wait3A_42 = arith.constant 0 : i32
      %dma_wait3A_43 = tpu.memref_slice %arg12[%mul3A_33, %dma_wait3A_42] : memref<10112x128xf32, #tpu.memory_space<vmem_shared>> -> memref<632x128xf32, #tpu.memory_space<vmem_shared>>
      tpu.wait_dma2 semaphore(%run_scoped3A : memref<!tpu.dma_semaphore, #tpu.memory_space<semaphore_mem>>) src(%dma_wait3A_43 : memref<632x128xf32, #tpu.memory_space<vmem_shared>>) dst(%dma_wait3A_41 : memref<632x128xf32, #tpu.memory_space<hbm>>)
      tpu.yield
    }) : () -> ()
    return
  }
}

module attributes {stable_mosaic.version = 14 : i64} {
  func.func @_tc1_body(%arg0: i32, %arg1: memref<1000x128xf32, #tpu.memory_space<vmem>>, %arg2: memref<128x128xf32, #tpu.memory_space<vmem>>, %arg3: memref<2x1000x128xf32, #tpu.memory_space<vmem>>, %arg4: memref<1000x128xf32, #tpu.memory_space<vmem>>) attributes {dimension_semantics = [#tpu.dimension_semantics<arbitrary>], iteration_bounds = array<i64: 10>, scalar_prefetch = 0 : i64, scratch_operands = 0 : i64, tpu.core_type = #tpu.core_type<tc>, window_params = [{transform_indices = @transform_0, window_bounds = array<i64: 1000, 128>}, {pipeline_mode = #tpu.pipeline_mode<synchronous>, transform_indices = @transform_1, window_bounds = array<i64: 128, 128>}, {transform_indices = @transform_2, window_bounds = array<i64: 2, 1000, 128>}, {transform_indices = @transform_3, window_bounds = array<i64: 1000, 128>}]} {
    %get3A = arith.constant 0 : index
    %get3A_0 = arith.constant 0 : index
    %get3A_1 = arith.constant 0 : index
    %get3A_2 = vector.load %arg3[%get3A, %get3A_0, %get3A_1] : memref<2x1000x128xf32, #tpu.memory_space<vmem>>, vector<1x1000x1xf32>
    %get3A_3 = vector.shape_cast %get3A_2 : vector<1x1000x1xf32> to vector<1000x1xf32>
    %get3A_4 = arith.constant 1 : index
    %get3A_5 = arith.constant 0 : index
    %get3A_6 = arith.constant 0 : index
    %get3A_7 = vector.load %arg3[%get3A_4, %get3A_5, %get3A_6] : memref<2x1000x128xf32, #tpu.memory_space<vmem>>, vector<1x1000x1xf32>
    %get3A_8 = vector.shape_cast %get3A_7 : vector<1x1000x1xf32> to vector<1000x1xf32>
    %add3A = arith.addf %get3A_3, %get3A_8 : vector<1000x1xf32>
    %add3A_9 = arith.constant 1.000000e+00 : f32
    %add3A_10 = vector.broadcast %add3A_9 : f32 to vector<1000x1xf32>
    %add3A_11 = arith.addf %add3A, %add3A_10 : vector<1000x1xf32>
    %rsqrt3A = math.rsqrt %add3A_11 : vector<1000x1xf32>
    %get3A_12 = arith.constant 0 : index
    %get3A_13 = arith.constant 0 : index
    %get3A_14 = vector.load %arg1[%get3A_12, %get3A_13] : memref<1000x128xf32, #tpu.memory_space<vmem>>, vector<1000x128xf32>
    %get3A_15 = arith.constant 0 : index
    %get3A_16 = arith.constant 0 : index
    %get3A_17 = vector.load %arg2[%get3A_15, %get3A_16] : memref<128x128xf32, #tpu.memory_space<vmem>>, vector<128x128xf32>
    %dot_general3A = arith.constant dense<0.000000e+00> : vector<1000x128xf32>
    %dot_general3A_18 = tpu.matmul %get3A_14, %get3A_17, %dot_general3A {dimension_numbers = #tpu.dot_dimension_numbers<[1], [0], [0], [1], [0, 0, 1, 1], [], []>, transpose_lhs_hint = false} : vector<1000x128xf32>, vector<128x128xf32>, vector<1000x128xf32> -> vector<1000x128xf32>
    %mul3A = vector.broadcast %rsqrt3A : vector<1000x1xf32> to vector<1000x128xf32>
    %mul3A_19 = arith.mulf %dot_general3A_18, %mul3A : vector<1000x128xf32>
    %swap3A = arith.constant 0 : index
    %swap3A_20 = arith.constant 0 : index
    %swap3A_21 = vector.load %arg4[%swap3A, %swap3A_20] : memref<1000x128xf32, #tpu.memory_space<vmem>>, vector<1000x128xf32>
    tpu.vector_store %arg4[%swap3A, %swap3A_20], %mul3A_19 {strides = array<i32>} : memref<1000x128xf32, #tpu.memory_space<vmem>>, vector<1000x128xf32>,
    return
  }
  func.func @transform_0(%arg0: i32) -> (i32, i32) {
    %c0_i32 = arith.constant 0 : i32
    %c0_i32_0 = arith.constant 0 : i32
    return %arg0, %c0_i32 : i32, i32
  }
  func.func @transform_1(%arg0: i32) -> (i32, i32) {
    %c0_i32 = arith.constant 0 : i32
    %c0_i32_0 = arith.constant 0 : i32
    %c0_i32_1 = arith.constant 0 : i32
    return %c0_i32, %c0_i32_0 : i32, i32
  }
  func.func @transform_2(%arg0: i32) -> (i32, i32, i32) {
    %c0_i32 = arith.constant 0 : i32
    %c0_i32_0 = arith.constant 0 : i32
    %c0_i32_1 = arith.constant 0 : i32
    return %c0_i32, %arg0, %c0_i32_0 : i32, i32, i32
  }
  func.func @transform_3(%arg0: i32) -> (i32, i32) {
    %c0_i32 = arith.constant 0 : i32
    %c0_i32_0 = arith.constant 0 : i32
    return %arg0, %c0_i32 : i32, i32
  }
}

module attributes {stable_mosaic.version = 14 : i64} {
  func.func @_tc2_body(%arg0: i32, %arg1: memref<1000x128xf32, #tpu.memory_space<vmem>>, %arg2: memref<2x1000x128xf32, #tpu.memory_space<vmem>>, %arg3: memref<2x1000x128xf32, #tpu.memory_space<vmem>>, %arg4: memref<1x128xf32, #tpu.memory_space<vmem>>, %arg5: memref<128x128xf32, #tpu.memory_space<vmem>>, %arg6: memref<1000x128xf32, #tpu.memory_space<vmem>>) attributes {dimension_semantics = [#tpu.dimension_semantics<arbitrary>], iteration_bounds = array<i64: 10>, scalar_prefetch = 0 : i64, scratch_operands = 0 : i64, tpu.core_type = #tpu.core_type<tc>, window_params = [{transform_indices = @transform_0, window_bounds = array<i64: 1000, 128>}, {transform_indices = @transform_1, window_bounds = array<i64: 2, 1000, 128>}, {transform_indices = @transform_2, window_bounds = array<i64: 2, 1000, 128>}, {pipeline_mode = #tpu.pipeline_mode<synchronous>, transform_indices = @transform_3, window_bounds = array<i64: 1, 128>}, {pipeline_mode = #tpu.pipeline_mode<synchronous>, transform_indices = @transform_4, window_bounds = array<i64: 128, 128>}, {transform_indices = @transform_5, window_bounds = array<i64: 1000, 128>}]} {
    %get3A = arith.constant 0 : index
    %get3A_0 = arith.constant 0 : index
    %get3A_1 = arith.constant 0 : index
    %get3A_2 = vector.load %arg3[%get3A, %get3A_0, %get3A_1] : memref<2x1000x128xf32, #tpu.memory_space<vmem>>, vector<1x1000x1xf32>
    %get3A_3 = vector.shape_cast %get3A_2 : vector<1x1000x1xf32> to vector<1000x1xf32>
    %get3A_4 = arith.constant 1 : index
    %get3A_5 = arith.constant 0 : index
    %get3A_6 = arith.constant 0 : index
    %get3A_7 = vector.load %arg3[%get3A_4, %get3A_5, %get3A_6] : memref<2x1000x128xf32, #tpu.memory_space<vmem>>, vector<1x1000x1xf32>
    %get3A_8 = vector.shape_cast %get3A_7 : vector<1x1000x1xf32> to vector<1000x1xf32>
    %add3A = arith.addf %get3A_3, %get3A_8 : vector<1000x1xf32>
    %add3A_9 = arith.constant 1.000000e+00 : f32
    %add3A_10 = vector.broadcast %add3A_9 : f32 to vector<1000x1xf32>
    %add3A_11 = arith.addf %add3A, %add3A_10 : vector<1000x1xf32>
    %rsqrt3A = math.rsqrt %add3A_11 : vector<1000x1xf32>
    %get3A_12 = arith.constant 0 : index
    %get3A_13 = arith.constant 0 : index
    %get3A_14 = vector.load %arg1[%get3A_12, %get3A_13] : memref<1000x128xf32, #tpu.memory_space<vmem>>, vector<1000x128xf32>
    %get3A_15 = arith.constant 0 : index
    %get3A_16 = arith.constant 0 : index
    %get3A_17 = arith.constant 0 : index
    %get3A_18 = vector.load %arg2[%get3A_15, %get3A_16, %get3A_17] : memref<2x1000x128xf32, #tpu.memory_space<vmem>>, vector<1x1000x128xf32>
    %get3A_19 = vector.shape_cast %get3A_18 : vector<1x1000x128xf32> to vector<1000x128xf32>
    %add3A_20 = arith.addf %get3A_14, %get3A_19 : vector<1000x128xf32>
    %get3A_21 = arith.constant 1 : index
    %get3A_22 = arith.constant 0 : index
    %get3A_23 = arith.constant 0 : index
    %get3A_24 = vector.load %arg2[%get3A_21, %get3A_22, %get3A_23] : memref<2x1000x128xf32, #tpu.memory_space<vmem>>, vector<1x1000x128xf32>
    %get3A_25 = vector.shape_cast %get3A_24 : vector<1x1000x128xf32> to vector<1000x128xf32>
    %add3A_26 = arith.addf %add3A_20, %get3A_25 : vector<1000x128xf32>
    %mul3A = vector.broadcast %rsqrt3A : vector<1000x1xf32> to vector<1000x128xf32>
    %mul3A_27 = arith.mulf %mul3A, %add3A_26 : vector<1000x128xf32>
    %get3A_28 = arith.constant 0 : index
    %get3A_29 = arith.constant 0 : index
    %get3A_30 = vector.load %arg4[%get3A_28, %get3A_29] : memref<1x128xf32, #tpu.memory_space<vmem>>, vector<1x128xf32>
    %add3A_31 = vector.broadcast %get3A_30 : vector<1x128xf32> to vector<1000x128xf32>
    %add3A_32 = arith.addf %mul3A_27, %add3A_31 : vector<1000x128xf32>
    %max3A = arith.constant 0.000000e+00 : f32
    %max3A_33 = vector.broadcast %max3A : f32 to vector<1000x128xf32>
    %max3A_34 = arith.maximumf %add3A_32, %max3A_33 : vector<1000x128xf32>
    %get3A_35 = arith.constant 0 : index
    %get3A_36 = arith.constant 0 : index
    %get3A_37 = vector.load %arg5[%get3A_35, %get3A_36] : memref<128x128xf32, #tpu.memory_space<vmem>>, vector<128x128xf32>
    %dot_general3A = arith.constant dense<0.000000e+00> : vector<1000x128xf32>
    %dot_general3A_38 = tpu.matmul %max3A_34, %get3A_37, %dot_general3A {dimension_numbers = #tpu.dot_dimension_numbers<[1], [0], [0], [1], [0, 0, 1, 1], [], []>, transpose_lhs_hint = false} : vector<1000x128xf32>, vector<128x128xf32>, vector<1000x128xf32> -> vector<1000x128xf32>
    %mul3A_39 = vector.broadcast %rsqrt3A : vector<1000x1xf32> to vector<1000x128xf32>
    %mul3A_40 = arith.mulf %dot_general3A_38, %mul3A_39 : vector<1000x128xf32>
    %swap3A = arith.constant 0 : index
    %swap3A_41 = arith.constant 0 : index
    %swap3A_42 = vector.load %arg6[%swap3A, %swap3A_41] : memref<1000x128xf32, #tpu.memory_space<vmem>>, vector<1000x128xf32>
    tpu.vector_store %arg6[%swap3A, %swap3A_41], %mul3A_40 {strides = array<i32>} : memref<1000x128xf32, #tpu.memory_space<vmem>>, vector<1000x128xf32>,
    return
  }
  func.func @transform_0(%arg0: i32) -> (i32, i32) {
    %c0_i32 = arith.constant 0 : i32
    %c0_i32_0 = arith.constant 0 : i32
    return %arg0, %c0_i32 : i32, i32
  }
  func.func @transform_1(%arg0: i32) -> (i32, i32, i32) {
    %c0_i32 = arith.constant 0 : i32
    %c0_i32_0 = arith.constant 0 : i32
    %c0_i32_1 = arith.constant 0 : i32
    return %c0_i32, %arg0, %c0_i32_0 : i32, i32, i32
  }
  func.func @transform_2(%arg0: i32) -> (i32, i32, i32) {
    %c0_i32 = arith.constant 0 : i32
    %c0_i32_0 = arith.constant 0 : i32
    %c0_i32_1 = arith.constant 0 : i32
    return %c0_i32, %arg0, %c0_i32_0 : i32, i32, i32
  }
  func.func @transform_3(%arg0: i32) -> (i32, i32) {
    %c0_i32 = arith.constant 0 : i32
    %c0_i32_0 = arith.constant 0 : i32
    %c0_i32_1 = arith.constant 0 : i32
    return %c0_i32, %c0_i32_0 : i32, i32
  }
  func.func @transform_4(%arg0: i32) -> (i32, i32) {
    %c0_i32 = arith.constant 0 : i32
    %c0_i32_0 = arith.constant 0 : i32
    %c0_i32_1 = arith.constant 0 : i32
    return %c0_i32, %c0_i32_0 : i32, i32
  }
  func.func @transform_5(%arg0: i32) -> (i32, i32) {
    %c0_i32 = arith.constant 0 : i32
    %c0_i32_0 = arith.constant 0 : i32
    return %arg0, %c0_i32 : i32, i32
  }
}

module attributes {stable_mosaic.version = 14 : i64} {
  func.func @_tc3_body(%arg0: i32, %arg1: memref<1000x128xf32, #tpu.memory_space<vmem>>, %arg2: memref<2x1000x128xf32, #tpu.memory_space<vmem>>, %arg3: memref<2x1000x128xf32, #tpu.memory_space<vmem>>, %arg4: memref<1x128xf32, #tpu.memory_space<vmem>>, %arg5: memref<1000x128xf32, #tpu.memory_space<vmem>>) attributes {dimension_semantics = [#tpu.dimension_semantics<arbitrary>], iteration_bounds = array<i64: 10>, scalar_prefetch = 0 : i64, scratch_operands = 0 : i64, tpu.core_type = #tpu.core_type<tc>, window_params = [{transform_indices = @transform_0, window_bounds = array<i64: 1000, 128>}, {transform_indices = @transform_1, window_bounds = array<i64: 2, 1000, 128>}, {transform_indices = @transform_2, window_bounds = array<i64: 2, 1000, 128>}, {pipeline_mode = #tpu.pipeline_mode<synchronous>, transform_indices = @transform_3, window_bounds = array<i64: 1, 128>}, {transform_indices = @transform_4, window_bounds = array<i64: 1000, 128>}]} {
    %get3A = arith.constant 0 : index
    %get3A_0 = arith.constant 0 : index
    %get3A_1 = arith.constant 0 : index
    %get3A_2 = vector.load %arg3[%get3A, %get3A_0, %get3A_1] : memref<2x1000x128xf32, #tpu.memory_space<vmem>>, vector<1x1000x1xf32>
    %get3A_3 = vector.shape_cast %get3A_2 : vector<1x1000x1xf32> to vector<1000x1xf32>
    %get3A_4 = arith.constant 1 : index
    %get3A_5 = arith.constant 0 : index
    %get3A_6 = arith.constant 0 : index
    %get3A_7 = vector.load %arg3[%get3A_4, %get3A_5, %get3A_6] : memref<2x1000x128xf32, #tpu.memory_space<vmem>>, vector<1x1000x1xf32>
    %get3A_8 = vector.shape_cast %get3A_7 : vector<1x1000x1xf32> to vector<1000x1xf32>
    %add3A = arith.addf %get3A_3, %get3A_8 : vector<1000x1xf32>
    %add3A_9 = arith.constant 1.000000e+00 : f32
    %add3A_10 = vector.broadcast %add3A_9 : f32 to vector<1000x1xf32>
    %add3A_11 = arith.addf %add3A, %add3A_10 : vector<1000x1xf32>
    %rsqrt3A = math.rsqrt %add3A_11 : vector<1000x1xf32>
    %get3A_12 = arith.constant 0 : index
    %get3A_13 = arith.constant 0 : index
    %get3A_14 = vector.load %arg1[%get3A_12, %get3A_13] : memref<1000x128xf32, #tpu.memory_space<vmem>>, vector<1000x128xf32>
    %get3A_15 = arith.constant 0 : index
    %get3A_16 = arith.constant 0 : index
    %get3A_17 = arith.constant 0 : index
    %get3A_18 = vector.load %arg2[%get3A_15, %get3A_16, %get3A_17] : memref<2x1000x128xf32, #tpu.memory_space<vmem>>, vector<1x1000x128xf32>
    %get3A_19 = vector.shape_cast %get3A_18 : vector<1x1000x128xf32> to vector<1000x128xf32>
    %add3A_20 = arith.addf %get3A_14, %get3A_19 : vector<1000x128xf32>
    %get3A_21 = arith.constant 1 : index
    %get3A_22 = arith.constant 0 : index
    %get3A_23 = arith.constant 0 : index
    %get3A_24 = vector.load %arg2[%get3A_21, %get3A_22, %get3A_23] : memref<2x1000x128xf32, #tpu.memory_space<vmem>>, vector<1x1000x128xf32>
    %get3A_25 = vector.shape_cast %get3A_24 : vector<1x1000x128xf32> to vector<1000x128xf32>
    %add3A_26 = arith.addf %add3A_20, %get3A_25 : vector<1000x128xf32>
    %mul3A = vector.broadcast %rsqrt3A : vector<1000x1xf32> to vector<1000x128xf32>
    %mul3A_27 = arith.mulf %mul3A, %add3A_26 : vector<1000x128xf32>
    %get3A_28 = arith.constant 0 : index
    %get3A_29 = arith.constant 0 : index
    %get3A_30 = vector.load %arg4[%get3A_28, %get3A_29] : memref<1x128xf32, #tpu.memory_space<vmem>>, vector<1x128xf32>
    %add3A_31 = vector.broadcast %get3A_30 : vector<1x128xf32> to vector<1000x128xf32>
    %add3A_32 = arith.addf %mul3A_27, %add3A_31 : vector<1000x128xf32>
    %swap3A = arith.constant 0 : index
    %swap3A_33 = arith.constant 0 : index
    %swap3A_34 = vector.load %arg5[%swap3A, %swap3A_33] : memref<1000x128xf32, #tpu.memory_space<vmem>>, vector<1000x128xf32>
    tpu.vector_store %arg5[%swap3A, %swap3A_33], %add3A_32 {strides = array<i32>} : memref<1000x128xf32, #tpu.memory_space<vmem>>, vector<1000x128xf32>,
    return
  }
  func.func @transform_0(%arg0: i32) -> (i32, i32) {
    %c0_i32 = arith.constant 0 : i32
    %c0_i32_0 = arith.constant 0 : i32
    return %arg0, %c0_i32 : i32, i32
  }
  func.func @transform_1(%arg0: i32) -> (i32, i32, i32) {
    %c0_i32 = arith.constant 0 : i32
    %c0_i32_0 = arith.constant 0 : i32
    %c0_i32_1 = arith.constant 0 : i32
    return %c0_i32, %arg0, %c0_i32_0 : i32, i32, i32
  }
  func.func @transform_2(%arg0: i32) -> (i32, i32, i32) {
    %c0_i32 = arith.constant 0 : i32
    %c0_i32_0 = arith.constant 0 : i32
    %c0_i32_1 = arith.constant 0 : i32
    return %c0_i32, %arg0, %c0_i32_0 : i32, i32, i32
  }
  func.func @transform_3(%arg0: i32) -> (i32, i32) {
    %c0_i32 = arith.constant 0 : i32
    %c0_i32_0 = arith.constant 0 : i32
    %c0_i32_1 = arith.constant 0 : i32
    return %c0_i32, %c0_i32_0 : i32, i32
  }
  func.func @transform_4(%arg0: i32) -> (i32, i32) {
    %c0_i32 = arith.constant 0 : i32
    %c0_i32_0 = arith.constant 0 : i32
    return %arg0, %c0_i32 : i32, i32
  }
}

</mosaic_0001>

<sc_bundles>
// kernel: kernel.11.cloned.1.call-start
scs
__scs_entry_jumppad:
0x0: {  	(pc) =	sbr.rel $0x88, $3  }
0x1: {  	(tag) =	ssettag $0x0;
	lr =	simm.s32 $0x1  }
0x2: {  	[smem:$0x3F9B] =	sst lr;
	_ =	strace $0xD0000000  }
0x3: {  	_ = 	snop  }
0x4: {  	_ = 	snop  }
0x5: {  	_ = 	snop  }
0x6: {  	_ = 	snop  }
0x7: {  	_ = 	snop  }
__scs_overlays_trampoline_lowered:
0x8: {  	[smem:$0x3FAA] =	sst s0  }
0x9: {  	[smem:$0x3FAB] =	sst s1  }
0xa: {  	[smem:$0x3FAC] =	sst s2  }
0xb: {  	[smem:$0x3FAD] =	sst s3  }
0xc: {  	[smem:$0x3FAE] =	sst s4  }
0xd: {  	[smem:$0x3FAF] =	sst s5  }
0xe: {  	[smem:$0x3FB0] =	sst s6  }
0xf: {  	[smem:$0x3FB1] =	sst s7  }
0x10: {  	[smem:$0x3FB2] =	sst s8  }
0x11: {  	[smem:$0x3FB3] =	sst s9;
	s0 =	simm.s32 @!p0 $0x0  }
0x12: {  	s1 =	sld [smem:$0x3F99];
	s0 =	simm.s32 @p0 $0x1  }
0x13: {  	[smem:$0x3FB4] =	sst s0;
	s0 =	simm.s32 @!p1 $0x0  }
0x14: {  	s2 =	sld [smem:$0x3F98];
	s0 =	simm.s32 @p1 $0x1  }
0x15: {  	[smem:$0x3FB5] =	sst s0;
	s0 =	simm.s32 @!p2 $0x0  }
0x16: {  	s3 =	sld [smem:$0x3FDB];
	s0 =	simm.s32 @p2 $0x1  }
0x17: {  	s4 =	simm.s32 $0x1BF5;
	[smem:$0x3FB7] =	sst s0  }
0x18: {  	s0 =	sld [smem:$0x3F9A];
	_ =	swait.ge [sflag:s4], $0x0  }
0x19: {  	s7 =	sld [smem:$0x3F9B]  }
0x1a: {  	s8 =	sadd.s32 $0xFFFFE003, lr  }
0x1b: {  	s9 =	sadd.s32 $0xFFFFFEF7, lr;
	s5 =	simm.s32 $0xFFFFFFFF;
	p2 =	slt.u32 s8, $0xFFFFF086  }
0x1c: {  	p1 =	slt.u32 s9, $0xF7A;
	s5 =	simm.s32 @!p2 $0x0  }
0x1d: {  	s5 =	simm.s32 @p1 $0x1;
	p0 =	seq.s32 s7, s2  }
0x1e: {  	s7 =	smul.u32 @!p0 $0xF7A, s2;
	p2 =	seq.s32 @!p0 s5, $0x0  }
0x1f: {  	s9 =	smul.u32 $0xF7A, s1;
	s8 =	simm.s32 @!p0 $0x1BF5;
	p2 =	por !p2, p0  }
0x20: {  	[sflag:s8] =	ssyncset.s32 @!p0 $0xFFFFF086;
	s6 =	sadd.s32 @!p0 s3, s7;
	s7 =	simm.s32 @!p0 $0x108  }
0x21: {  	s3 =	sadd.s32 s3, s9;
	s6 =	sadd.s32 @!p0 $0x88, s6;
	s7 =	simm.s32 @p2 $0x1082  }
0x22: {  	[simem:s7], [sflag:s8] =	dma.local @!p0 [hbm:s6], $0xF7A  }
0x23: {  	s9 =	sor.u32 $0xD0000000, s2;
	s6 =	simm.s32 $0x108;
	_ =	swait.ge @!p0 [sflag:s8], $0x0  }
0x24: {  	s3 =	sadd.s32 $0x88, s3;
	s6 =	simm.s32 @!p1 $0x1082;
	[sflag:s4] =	ssyncset.s32 $0xFFFFF086  }
0x25: {  	[simem:s6], [sflag:s4] =	dma.local [hbm:s3], $0xF7A  }
0x26: {  	[smem:$0x3F9B] =	sst s1;
	(tag) =	ssettag s2;
	_ =	strace s9  }
0x27: {  	s1 =	sld [smem:$0x3FAB]  }
0x28: {  	s2 =	sld [smem:$0x3FAC]  }
0x29: {  	s4 =	sld [smem:$0x3FAE]  }
0x2a: {  	p0 =	seq.s32 s5, $0x0;
	s5 =	sld [smem:$0x3FAF]  }
0x2b: {  	s6 =	sld [smem:$0x3FB0]  }
0x2c: {  	s7 =	sld [smem:$0x3FB1]  }
0x2d: {  	s3 =	simm.s32 $0x108;
	s8 =	sld [smem:$0x3FB2]  }
0x2e: {  	s3 =	simm.s32 @!p0 $0x1082;
	s9 =	sld [smem:$0x3FB3]  }
0x2f: {  	lr =	sadd.s32 s0, s3;
	s0 =	sld [smem:$0x3FAA]  }
0x30: {  	s3 =	sld [smem:$0x3FAD]  }
0x31: {  	[smem:$0x3FB6] =	sst s10  }
0x32: {  	s10 =	sld [smem:$0x3FB4];
	_ =	sdelay $0x3  }
0x33: {  	p0 =	seq.s32 s10, $0x1;
	s10 =	sld [smem:$0x3FB6];
	_ =	sdelay $0x3  }
0x34: {  	[smem:$0x3FB6] =	sst s10  }
0x35: {  	s10 =	sld [smem:$0x3FB5];
	_ =	sdelay $0x3  }
0x36: {  	p1 =	seq.s32 s10, $0x1;
	s10 =	sld [smem:$0x3FB6];
	_ =	sdelay $0x3  }
0x37: {  	[smem:$0x3FB6] =	sst s10  }
0x38: {  	s10 =	sld [smem:$0x3FB7]  }
0x39: {  	_ = 	snop;
	(pc) =	sbr.ind lr, $3  }
0x3a: {  	_ = 	snop  }
0x3b: {  	_ = 	snop  }
0x3c: {  	p2 =	seq.s32 s10, $0x1;
	s10 =	sld [smem:$0x3FB6]  }
0x3d: {  	_ =	shalt  }
0x3e: {  	_ =	shalt  }
0x3f: {  	_ =	shalt  }
0x40: {  	_ =	shalt  }
0x41: {  	_ =	shalt  }
0x42: {  	_ =	shalt  }
0x43: {  	_ =	shalt  }
0x44: {  	_ =	shalt  }
0x45: {  	_ =	shalt  }
0x46: {  	_ =	shalt  }
0x47: {  	_ =	shalt  }
0x48: {  	_ =	shalt  }
0x49: {  	_ =	shalt  }
0x4a: {  	_ =	shalt  }
0x4b: {  	_ =	shalt  }
0x4c: {  	_ =	shalt  }
0x4d: {  	_ =	shalt  }
0x4e: {  	_ =	shalt  }
0x4f: {  	_ =	shalt  }
0x50: {  	_ =	shalt  }
0x51: {  	_ =	shalt  }
0x52: {  	_ =	shalt  }
0x53: {  	_ =	shalt  }
0x54: {  	_ =	shalt  }
0x55: {  	_ =	shalt  }
0x56: {  	_ =	shalt  }
0x57: {  	_ =	shalt  }
0x58: {  	_ =	shalt  }
0x59: {  	_ =	shalt  }
0x5a: {  	_ =	shalt  }
0x5b: {  	_ =	shalt  }
0x5c: {  	_ =	shalt  }
0x5d: {  	_ =	shalt  }
0x5e: {  	_ =	shalt  }
0x5f: {  	_ =	shalt  }
0x60: {  	_ =	shalt  }
0x61: {  	_ =	shalt  }
0x62: {  	_ =	shalt  }
0x63: {  	_ =	shalt  }
0x64: {  	_ =	shalt  }
0x65: {  	_ =	shalt  }
0x66: {  	_ =	shalt  }
0x67: {  	_ =	shalt  }
0x68: {  	_ =	shalt  }
0x69: {  	_ =	shalt  }
0x6a: {  	_ =	shalt  }
0x6b: {  	_ =	shalt  }
0x6c: {  	_ =	shalt  }
0x6d: {  	_ =	shalt  }
0x6e: {  	_ =	shalt  }
0x6f: {  	_ =	shalt  }
0x70: {  	_ =	shalt  }
0x71: {  	_ =	shalt  }
0x72: {  	_ =	shalt  }
0x73: {  	_ =	shalt  }
0x74: {  	_ =	shalt  }
0x75: {  	_ =	shalt  }
0x76: {  	_ =	shalt  }
0x77: {  	_ =	shalt  }
0x78: {  	_ =	shalt  }
0x79: {  	_ =	shalt  }
0x7a: {  	_ =	shalt  }
0x7b: {  	_ =	shalt  }
0x7c: {  	_ =	shalt  }
0x7d: {  	_ =	shalt  }
0x7e: {  	_ =	shalt  }
0x7f: {  	_ =	shalt  }
0x80: {  	_ =	shalt  }
0x81: {  	_ =	shalt  }
0x82: {  	_ =	shalt  }
0x83: {  	_ =	shalt  }
0x84: {  	_ =	shalt  }
0x85: {  	_ =	shalt  }
0x86: {  	_ =	shalt  }
0x87: {  	_ =	shalt  }
.Lfunc_end0:
.L_simem_size_0:
called_computation.1_lowered:
.L_overlay_start_0:
0x88: {  	s2 =	sld [smem:$0x3FD9]  }
0x89: {  	s3 =	sld [smem:$0x3FFE];
	_ =	sdelay $0x1  }
0x8a: {  	s1 =	srdreg.scid  }
0x8b: {  	s0 =	sand.u32 $0x1, s1  }
0x8c: {  	s17 =	sshll.u32 s0, $0xA;
	s2 =	sadd.s32 s3, s2  }
0x8d: {  	s2 =	sadd.s32 s2, s17  }
0x8e: {  	[smem:$0x3FC2] =	sst s2  }
0x8f: {  	_ = 	snop  }
0x90: {  	s2 =	sld [smem:$0x3FD0];
	(tm) =	ssettm $0x1  }
0x91: {  	s18 =	sld [smem:$0x3FFB];
	_ =	sdelay $0x3  }
0x92: {  	_ =	strace s18  }
0x93: {  	s3 =	sld [smem:$0x3FFC];
	_ =	sdelay $0x3  }
0x94: {  	_ =	strace s3  }
0x95: {  	s3 =	sld [smem:$0x3FFD];
	_ =	sdelay $0x3  }
0x96: {  	_ =	strace s3  }
0x97: {  	_ =	strace $0x8FFFFFFF  }
0x98: {  	s19 =	sld [smem:$0x3FDB];
	_ =	sdelay $0x1  }
0x99: {  	s4 =	simm.s32 $_scs_section_size  }
0x9a: {  	s5 =	simm.s32 $_size__tile_overlayer_lowered;
	s6 =	simm.s32 $_tile_overlayer_lowered  }
0x9b: {  	s22 =	simm.s32 $0x1BFF;
	s21 =	sshll.u32 s6, $0x1;
	s3 =	sadd.s32 s4, s19  }
0x9c: {  	s7 =	simm.s32 $0x0;
	s20 =	sshll.u32 s5, $0x1;
	s5 =	sadd.s32 s21, s3  }
0x9d: {  	[timem:s7], [sflag:s22] =	dma.local [hbm:s5], s20  }
0x9e: {  	_ =	swait.ge [sflag:s22], s20  }
0x9f: {  	s4 =	ssub.s32 $0x0, s20;
	[sflag:s22] =	ssyncset.done $0x0  }
0xa0: {  	[sflag:s22] =	ssyncadd.s32 s4;
	_ =	sdelay $0x1  }
0xa1: {  	s23 =	simm.s32 $0x1B8B  }
0xa2: {  	_ =	swait.ge [sflag:s23], $0x1  }
0xa3: {  	[sflag:s23] =	ssyncset.done $0x0  }
0xa4: {  	s25 =	simm.s32 $0x1B8E;
	s24 =	sld [smem:$0x3FFE];
	[sflag:s23] =	ssyncadd.s32 $0xFFFFFFFF  }
0xa5: {  	s26 =	simm.s32 $execute0_lowered;
	[smem:$0x3FD2] =	sst s25  }
0xa6: {  	s5 =	sshll.u32 s26, $0x1;
	_ =	strace $0x80000049;
	[dreg:$0x1] =	wrdreg $0xFFFFFFFF  }
0xa7: {  	s28 =	simm.s32 $_size_execute0_lowered;
	s3 =	sadd.s32 s3, s5;
	[dreg:$0x0] =	wrdreg $0x0  }
0xa8: {  	s5 =	sshll.u32 s28, $0x1;
	[dreg:$0x2] =	wrdreg s3  }
0xa9: {  	[dreg:$0x3] =	wrdreg s5  }
0xaa: {  	[dreg:$0x4] =	wrdreg $0xC0  }
0xab: {  	_ =	task [dreg:s7], $0x5FFFF  }
0xac: {  	[dreg:$0x1] =	wrdreg $0xFFFFFFFF  }
0xad: {  	[dreg:$0x0] =	wrdreg $0x60  }
0xae: {  	[dreg:$0x2] =	wrdreg s2  }
0xaf: {  	[dreg:$0x3] =	wrdreg s24  }
0xb0: {  	[dreg:$0x4] =	wrdreg $0x41000  }
0xb1: {  	[dreg:$0x5] =	wrdreg $0x9  }
0xb2: {  	_ =	task.clear_ibuf [dreg:s7], $0x6FFFF;
	_ =	strace $0x90000049  }
0xb3: {  	s29 =	simm.s32 $0x9;
	_ =	strace $0x8000004B  }
0xb4: {  	_ =	swait.ge [sflag:s29], $0x1  }
0xb5: {  	[sflag:s29] =	ssyncadd.s32 $0xFFFFFFFF  }
0xb6: {  	_ =	strace $0x9000004B  }
0xb7: {  	_ =	sfence  }
0xb8: {  	s30 =	sld [smem:$0x0];
	_ =	sdelay $0x2  }
0xb9: {  	s31 =	sshll.u32 s1, $0xD;
	s1 =	sshrl.u32 s1, $0x2  }
0xba: {  	s3 =	sand.u32 $0x4000, s31;
	s1 =	sadd.s32 s1, s30  }
0xbb: {  	s0 =	sor.u32 s3, s0;
	s1 =	sshll.u32 s1, $0x11  }
0xbc: {  	s0 =	sor.u32 s1, s0  }
0xbd: {  	s0 =	sadd.s32 $0x8F2B, s0  }
0xbe: {  	[sflag:s0] =	ssyncadd.remote.s32 $0x1  }
0xbf: {  	_ =	sfence.sel $0xFFFF  }
0xc0: {  	[dreg:$0x0] =	wrdreg $0xFFFFFFFF;
	(pc) =	sbr.abs _section_cstart, $3  }
0xc1: {  	[dreg:$0x1] =	wrdreg $0xFFFFFFFF  }
0xc2: {  	_ =	task.clear_ibuf [dreg:s7], $0x2FFFF;
	_ =	strace $0x9FFFFFFF  }
0xc3: {  	(tm) =	ssettm $0x7FFFFFFF  }
tec
execute0_lowered:
.L_overlay_start_1:
0x0: {  	(tag) =	ssettag $0x1  }
0x1: {  	s2 =	rddreg [dreg:$0x0]  }
0x2: {  	s5 =	rddreg [dreg:$0x1]  }
0x3: {  	s3 =	rddreg [dreg:$0x2]  }
0x4: {  	s0 =	rddreg [dreg:$0x3]  }
0x5: {  	s1 =	stileid.u32;
	s6 =	srdreg.scid  }
0x6: {  	s4 =	simm.s32 $0x0;
	s12 =	simm.s32 $0x3;
	s13 =	simm.s32 $0x1  }
0x7: {  	s14 =	simm.s32 $0x80;
	s15 =	simm.s32 $0x100;
	s7 =	smul.u32 $0x3C, s1  }
0x8: {  	s16 =	simm.s32 $0x2;
	s17 =	simm.s32 $0x0;
	s8 =	smul.u32 $0x64, s1  }
0x9: {  	s6 =	sand.u32 $0x1, s6;
	[smem:$0x7FF] =	sst s4;
	s28 =	smul.u32 $0x13C00, s1  }
0xa: {  	s11 =	smul.u32 $0x4F000, s1;
	s31 =	sshll.u32 s1, $0x6;
	p0 =	seq.s32 s6, $0x0  }
0xb: {  	_ =	strace $0x8000004A;
	s9 =	smul.u32 $0x13C000, s6;
	s6 =	ssub.s32 $0x2, s6  }
0xc: {  	s7 =	sadd.s32 $0x640, s7;
	s29 =	sshrl.u32 s28, $0x3;
	s30 =	sshrl.u32 s6, $0x1  }
0xd: {  	s11 =	sshrl.u32 s11, $0x2;
	s7 =	smov.u32 @p0 s8;
	s8 =	sadd.s32 s28, s9  }
0xe: {  	s9 =	ssub.s32 s6, s30;
	s11 =	sadd.s32 s11, s3;
	s6 =	simm.s32 $0x64  }
0xf: {  	s7 =	sshll.u32 s7, $0x5;
	s8 =	sshrl.u32 s8, $0x3;
	s6 =	simm.s32 @!p0 $0x3C  }
0x10: {  	s9 =	smax.u32 s9, $0x1;
	s10 =	sadd.s32 s7, s5;
	s7 =	sadd.s32 s29, s5  }
0x11: {  	s11 =	sshrl.u32 s11, $0x3;
	s8 =	sadd.s32 s8, s5;
	s5 =	sadd.s32 $0x16600, s7  }
0x12: {  	s7 =	sor.u32 $0x1C03, s31;
	s8 =	sadd.s32 $0x8CE00, s8;
	s10 =	sadd.s32 $0x2400, s10  }
.LBB2_1:
0x13: {  	[spmem:s11], [sflag:s7] =	dma.local [hbm:s5], $0x2780  }
0x14: {  	_ =	swait.ge [sflag:s12], $0x2780  }
0x15: {  	[sflag:s12] =	ssyncset.done $0x0  }
0x16: {  	[sflag:s12] =	ssyncadd.s32 $0xFFFFD880  }
0x17: {  	[bflag:$0x0] =	sbarrier.arrive $0xFFFF  }
0x18: {  	[tilespmem:s4], [sflag:$0x1] =	stream.linear.gather [hbm4b:s10+s4], $0x100, $0x38;
	[tilespmem:$0x17D00] =	vst v63  }
0x19: {  	_ =	swait.ge [sflag:s13], $0x100  }
0x1a: {  	[sflag:s13] =	ssyncset.done $0x0  }
0x1b: {  	[sflag:s13] =	ssyncadd.s32 $0xFFFFFF00  }
0x1c: {  	[tilespmem:s15], [sflag:$0x2] =	stream.indirect.gather [hbm4b:s2+s14], $0x80, s4, s14, $0xb8;
	[tilespmem:$0x17D00] =	vst v63  }
0x1d: {  	p0 =	sne.s32 s6, $0x1;
	_ =	swait.ge [sflag:s16], $0x4000  }
.Ltmp0:
0x1e: {  	[sflag:s16] =	ssyncset.done $0x0;
	(pc) =	sbr.rel @!p0 .LBB2_3-.Ltmp0, $4  }
0x1f: {  	[sflag:s16] =	ssyncadd.s32 $0xFFFFC000  }
0x20: {  	[spmem:s3] =	stream.indirect.scatter.add.f32 [tilespmem:s15], [sflag:$0x3], $0x80, s14, s14, $0xb8;
	[tilespmem:$0x17D00] =	vst v63  }
0x21: {  	_ =	swait.ge [sflag:s12], $0x4000  }
0x22: {  	s18 =	sadd.s32 $0xFFFFFFFF, s6;
	s19 =	smov.u32 s10;
	[sflag:s12] =	ssyncset.done $0x0  }
.LBB2_2:
0x23: {  	p0 =	sne.s32 s18, $0x1;
	[sflag:s12] =	ssyncadd.s32 $0xFFFFC000;
	s19 =	sadd.s32 $0x20, s19  }
0x24: {  	[tilespmem:s4], [sflag:$0x1] =	stream.linear.gather [hbm4b:s19+s4], $0x100, $0x38;
	[tilespmem:$0x17D00] =	vst v63  }
0x25: {  	s18 =	sadd.s32 $0xFFFFFFFF, s18;
	_ =	swait.ge [sflag:s13], $0x100  }
0x26: {  	[sflag:s13] =	ssyncset.done $0x0  }
0x27: {  	[sflag:s13] =	ssyncadd.s32 $0xFFFFFF00  }
0x28: {  	[tilespmem:s15], [sflag:$0x2] =	stream.indirect.gather [hbm4b:s2+s14], $0x80, s4, s14, $0xb8;
	[tilespmem:$0x17D00] =	vst v63  }
0x29: {  	_ =	swait.ge [sflag:s16], $0x4000  }
.Ltmp1:
0x2a: {  	[sflag:s16] =	ssyncset.done $0x0;
	(pc) =	sbr.rel @p0 .LBB2_2-.Ltmp1, $4  }
0x2b: {  	[sflag:s16] =	ssyncadd.s32 $0xFFFFC000  }
0x2c: {  	[spmem:s3] =	stream.indirect.scatter.add.f32 [tilespmem:s15], [sflag:$0x3], $0x80, s14, s14, $0xb8;
	[tilespmem:$0x17D00] =	vst v63  }
0x2d: {  	_ =	swait.ge [sflag:s12], $0x4000  }
0x2e: {  	[sflag:s12] =	ssyncset.done $0x0  }
.LBB2_3:
0x2f: {  	s17 =	sadd.s32 $0x1, s17  }
0x30: {  	[sflag:s12] =	ssyncadd.s32 $0xFFFFC000;
	p0 =	sne.s32 s17, s9  }
.Ltmp2:
0x31: {  	[bflag:$0x0] =	sbarrier.arrive $0xFFFF;
	(pc) =	sbr.rel @p0 .LBB2_1-.Ltmp2, $4  }
0x32: {  	[hbm:s8], [sflag:s7] =	dma.local [spmem:s11], $0x2780  }
0x33: {  	_ =	swait.ge [sflag:s12], $0x2780  }
0x34: {  	[sflag:s12] =	ssyncset.done $0x0  }
0x35: {  	[sflag:s12] =	ssyncadd.s32 $0xFFFFD880  }
0x36: {  	_ =	sfence.sel $0x180000  }
0x37: {  	[bflag:$0x0] =	sbarrier.arrive $0xFFFF  }
0x38: {  	p0 =	sne.s32 s1, $0x0;
	_ =	strace $0x9000004A  }
0x39: {  	s0 =	sadd.s32 @!p0 $0x100000, s0;
	[bflag:$0x2] =	sbarrier.arrive $0xFFFF  }
0x3a: {  	[sflag:s0] =	ssyncadd.tile.s32 @!p0 $0x1;
	_ =	shalt  }
.Lfunc_end2:
_tile_overlayer_lowered:
.L_overlay_start_2:
0x3b: {  	(tag) =	ssettag $0x2  }
0x3c: {  	s0 =	rddreg [dreg:$0x0];
	s2 =	stileid.u32  }
0x3d: {  	s1 =	rddreg [dreg:$0x1];
	p0 =	sne.s32 s2, $0x0  }
0x3e: {  	s3 =	rddreg [dreg:$0x2];
	[bflag:$0x3] =	sbarrier.arrive $0xFFFF;
	s2 =	simm.s32 @!p0 $0x1C03  }
0x3f: {  	[timem:s3], [sflag:s2] =	dma.local @!p0 [hbm:s0], s1  }
0x40: {  	s0 =	simm.s32 @!p0 $0x3  }
0x41: {  	_ =	swait.ge @!p0 [sflag:s0], s1  }
0x42: {  	s1 =	ssub.s32 @!p0 $0x0, s1;
	[sflag:s0] =	ssyncset.done @!p0 $0x0  }
0x43: {  	[sflag:s0] =	ssyncadd.s32 @!p0 s1  }
0x44: {  	[bflag:$0x3] =	sbarrier.arrive $0xFFFF  }
0x45: {  	_ =	shalt  }

// kernel: kernel.14.cloned.1.call-start
scs
__scs_entry_jumppad:
0x0: {  	(pc) =	sbr.rel $0x88, $3  }
0x1: {  	(tag) =	ssettag $0x0;
	lr =	simm.s32 $0x1  }
0x2: {  	[smem:$0x3F9B] =	sst lr;
	_ =	strace $0xD0000000  }
0x3: {  	_ = 	snop  }
0x4: {  	_ = 	snop  }
0x5: {  	_ = 	snop  }
0x6: {  	_ = 	snop  }
0x7: {  	_ = 	snop  }
__scs_overlays_trampoline_lowered:
0x8: {  	[smem:$0x3FAA] =	sst s0  }
0x9: {  	[smem:$0x3FAB] =	sst s1  }
0xa: {  	[smem:$0x3FAC] =	sst s2  }
0xb: {  	[smem:$0x3FAD] =	sst s3  }
0xc: {  	[smem:$0x3FAE] =	sst s4  }
0xd: {  	[smem:$0x3FAF] =	sst s5  }
0xe: {  	[smem:$0x3FB0] =	sst s6  }
0xf: {  	[smem:$0x3FB1] =	sst s7  }
0x10: {  	[smem:$0x3FB2] =	sst s8  }
0x11: {  	[smem:$0x3FB3] =	sst s9;
	s0 =	simm.s32 @!p0 $0x0  }
0x12: {  	s1 =	sld [smem:$0x3F99];
	s0 =	simm.s32 @p0 $0x1  }
0x13: {  	[smem:$0x3FB4] =	sst s0;
	s0 =	simm.s32 @!p1 $0x0  }
0x14: {  	s2 =	sld [smem:$0x3F98];
	s0 =	simm.s32 @p1 $0x1  }
0x15: {  	[smem:$0x3FB5] =	sst s0;
	s0 =	simm.s32 @!p2 $0x0  }
0x16: {  	s3 =	sld [smem:$0x3FDB];
	s0 =	simm.s32 @p2 $0x1  }
0x17: {  	s4 =	simm.s32 $0x1BF5;
	[smem:$0x3FB7] =	sst s0  }
0x18: {  	s0 =	sld [smem:$0x3F9A];
	_ =	swait.ge [sflag:s4], $0x0  }
0x19: {  	s7 =	sld [smem:$0x3F9B]  }
0x1a: {  	s8 =	sadd.s32 $0xFFFFE003, lr  }
0x1b: {  	s9 =	sadd.s32 $0xFFFFFEF7, lr;
	s5 =	simm.s32 $0xFFFFFFFF;
	p2 =	slt.u32 s8, $0xFFFFF086  }
0x1c: {  	p1 =	slt.u32 s9, $0xF7A;
	s5 =	simm.s32 @!p2 $0x0  }
0x1d: {  	s5 =	simm.s32 @p1 $0x1;
	p0 =	seq.s32 s7, s2  }
0x1e: {  	s7 =	smul.u32 @!p0 $0xF7A, s2;
	p2 =	seq.s32 @!p0 s5, $0x0  }
0x1f: {  	s9 =	smul.u32 $0xF7A, s1;
	s8 =	simm.s32 @!p0 $0x1BF5;
	p2 =	por !p2, p0  }
0x20: {  	[sflag:s8] =	ssyncset.s32 @!p0 $0xFFFFF086;
	s6 =	sadd.s32 @!p0 s3, s7;
	s7 =	simm.s32 @!p0 $0x108  }
0x21: {  	s3 =	sadd.s32 s3, s9;
	s6 =	sadd.s32 @!p0 $0x88, s6;
	s7 =	simm.s32 @p2 $0x1082  }
0x22: {  	[simem:s7], [sflag:s8] =	dma.local @!p0 [hbm:s6], $0xF7A  }
0x23: {  	s9 =	sor.u32 $0xD0000000, s2;
	s6 =	simm.s32 $0x108;
	_ =	swait.ge @!p0 [sflag:s8], $0x0  }
0x24: {  	s3 =	sadd.s32 $0x88, s3;
	s6 =	simm.s32 @!p1 $0x1082;
	[sflag:s4] =	ssyncset.s32 $0xFFFFF086  }
0x25: {  	[simem:s6], [sflag:s4] =	dma.local [hbm:s3], $0xF7A  }
0x26: {  	[smem:$0x3F9B] =	sst s1;
	(tag) =	ssettag s2;
	_ =	strace s9  }
0x27: {  	s1 =	sld [smem:$0x3FAB]  }
0x28: {  	s2 =	sld [smem:$0x3FAC]  }
0x29: {  	s4 =	sld [smem:$0x3FAE]  }
0x2a: {  	p0 =	seq.s32 s5, $0x0;
	s5 =	sld [smem:$0x3FAF]  }
0x2b: {  	s6 =	sld [smem:$0x3FB0]  }
0x2c: {  	s7 =	sld [smem:$0x3FB1]  }
0x2d: {  	s3 =	simm.s32 $0x108;
	s8 =	sld [smem:$0x3FB2]  }
0x2e: {  	s3 =	simm.s32 @!p0 $0x1082;
	s9 =	sld [smem:$0x3FB3]  }
0x2f: {  	lr =	sadd.s32 s0, s3;
	s0 =	sld [smem:$0x3FAA]  }
0x30: {  	s3 =	sld [smem:$0x3FAD]  }
0x31: {  	[smem:$0x3FB6] =	sst s10  }
0x32: {  	s10 =	sld [smem:$0x3FB4];
	_ =	sdelay $0x3  }
0x33: {  	p0 =	seq.s32 s10, $0x1;
	s10 =	sld [smem:$0x3FB6];
	_ =	sdelay $0x3  }
0x34: {  	[smem:$0x3FB6] =	sst s10  }
0x35: {  	s10 =	sld [smem:$0x3FB5];
	_ =	sdelay $0x3  }
0x36: {  	p1 =	seq.s32 s10, $0x1;
	s10 =	sld [smem:$0x3FB6];
	_ =	sdelay $0x3  }
0x37: {  	[smem:$0x3FB6] =	sst s10  }
0x38: {  	s10 =	sld [smem:$0x3FB7]  }
0x39: {  	_ = 	snop;
	(pc) =	sbr.ind lr, $3  }
0x3a: {  	_ = 	snop  }
0x3b: {  	_ = 	snop  }
0x3c: {  	p2 =	seq.s32 s10, $0x1;
	s10 =	sld [smem:$0x3FB6]  }
0x3d: {  	_ =	shalt  }
0x3e: {  	_ =	shalt  }
0x3f: {  	_ =	shalt  }
0x40: {  	_ =	shalt  }
0x41: {  	_ =	shalt  }
0x42: {  	_ =	shalt  }
0x43: {  	_ =	shalt  }
0x44: {  	_ =	shalt  }
0x45: {  	_ =	shalt  }
0x46: {  	_ =	shalt  }
0x47: {  	_ =	shalt  }
0x48: {  	_ =	shalt  }
0x49: {  	_ =	shalt  }
0x4a: {  	_ =	shalt  }
0x4b: {  	_ =	shalt  }
0x4c: {  	_ =	shalt  }
0x4d: {  	_ =	shalt  }
0x4e: {  	_ =	shalt  }
0x4f: {  	_ =	shalt  }
0x50: {  	_ =	shalt  }
0x51: {  	_ =	shalt  }
0x52: {  	_ =	shalt  }
0x53: {  	_ =	shalt  }
0x54: {  	_ =	shalt  }
0x55: {  	_ =	shalt  }
0x56: {  	_ =	shalt  }
0x57: {  	_ =	shalt  }
0x58: {  	_ =	shalt  }
0x59: {  	_ =	shalt  }
0x5a: {  	_ =	shalt  }
0x5b: {  	_ =	shalt  }
0x5c: {  	_ =	shalt  }
0x5d: {  	_ =	shalt  }
0x5e: {  	_ =	shalt  }
0x5f: {  	_ =	shalt  }
0x60: {  	_ =	shalt  }
0x61: {  	_ =	shalt  }
0x62: {  	_ =	shalt  }
0x63: {  	_ =	shalt  }
0x64: {  	_ =	shalt  }
0x65: {  	_ =	shalt  }
0x66: {  	_ =	shalt  }
0x67: {  	_ =	shalt  }
0x68: {  	_ =	shalt  }
0x69: {  	_ =	shalt  }
0x6a: {  	_ =	shalt  }
0x6b: {  	_ =	shalt  }
0x6c: {  	_ =	shalt  }
0x6d: {  	_ =	shalt  }
0x6e: {  	_ =	shalt  }
0x6f: {  	_ =	shalt  }
0x70: {  	_ =	shalt  }
0x71: {  	_ =	shalt  }
0x72: {  	_ =	shalt  }
0x73: {  	_ =	shalt  }
0x74: {  	_ =	shalt  }
0x75: {  	_ =	shalt  }
0x76: {  	_ =	shalt  }
0x77: {  	_ =	shalt  }
0x78: {  	_ =	shalt  }
0x79: {  	_ =	shalt  }
0x7a: {  	_ =	shalt  }
0x7b: {  	_ =	shalt  }
0x7c: {  	_ =	shalt  }
0x7d: {  	_ =	shalt  }
0x7e: {  	_ =	shalt  }
0x7f: {  	_ =	shalt  }
0x80: {  	_ =	shalt  }
0x81: {  	_ =	shalt  }
0x82: {  	_ =	shalt  }
0x83: {  	_ =	shalt  }
0x84: {  	_ =	shalt  }
0x85: {  	_ =	shalt  }
0x86: {  	_ =	shalt  }
0x87: {  	_ =	shalt  }
.Lfunc_end0:
.L_simem_size_0:
called_computation.2_lowered:
.L_overlay_start_0:
0x88: {  	s2 =	sld [smem:$0x3FD9]  }
0x89: {  	s3 =	sld [smem:$0x3FFE];
	_ =	sdelay $0x1  }
0x8a: {  	s1 =	srdreg.scid  }
0x8b: {  	s0 =	sand.u32 $0x1, s1  }
0x8c: {  	s17 =	sshll.u32 s0, $0xA;
	s2 =	sadd.s32 s3, s2  }
0x8d: {  	s2 =	sadd.s32 s2, s17  }
0x8e: {  	[smem:$0x3FC2] =	sst s2  }
0x8f: {  	_ = 	snop  }
0x90: {  	s2 =	sld [smem:$0x3FD0];
	(tm) =	ssettm $0x1  }
0x91: {  	s18 =	sld [smem:$0x3FFB];
	_ =	sdelay $0x3  }
0x92: {  	_ =	strace s18  }
0x93: {  	s3 =	sld [smem:$0x3FFC];
	_ =	sdelay $0x3  }
0x94: {  	_ =	strace s3  }
0x95: {  	s3 =	sld [smem:$0x3FFD];
	_ =	sdelay $0x3  }
0x96: {  	_ =	strace s3  }
0x97: {  	_ =	strace $0x8FFFFFFF  }
0x98: {  	s19 =	sld [smem:$0x3FDB];
	_ =	sdelay $0x1  }
0x99: {  	s4 =	simm.s32 $_scs_section_size  }
0x9a: {  	s5 =	simm.s32 $_size__tile_overlayer_lowered;
	s6 =	simm.s32 $_tile_overlayer_lowered  }
0x9b: {  	s22 =	simm.s32 $0x1BFF;
	s21 =	sshll.u32 s6, $0x1;
	s3 =	sadd.s32 s4, s19  }
0x9c: {  	s7 =	simm.s32 $0x0;
	s20 =	sshll.u32 s5, $0x1;
	s5 =	sadd.s32 s21, s3  }
0x9d: {  	[timem:s7], [sflag:s22] =	dma.local [hbm:s5], s20  }
0x9e: {  	_ =	swait.ge [sflag:s22], s20  }
0x9f: {  	s4 =	ssub.s32 $0x0, s20;
	[sflag:s22] =	ssyncset.done $0x0  }
0xa0: {  	[sflag:s22] =	ssyncadd.s32 s4;
	_ =	sdelay $0x1  }
0xa1: {  	s23 =	simm.s32 $0x1B8B  }
0xa2: {  	_ =	swait.ge [sflag:s23], $0x1  }
0xa3: {  	[sflag:s23] =	ssyncset.done $0x0  }
0xa4: {  	s25 =	simm.s32 $0x1B8E;
	s24 =	sld [smem:$0x3FFE];
	[sflag:s23] =	ssyncadd.s32 $0xFFFFFFFF  }
0xa5: {  	s26 =	simm.s32 $execute0_lowered;
	[smem:$0x3FD2] =	sst s25  }
0xa6: {  	s5 =	sshll.u32 s26, $0x1;
	_ =	strace $0x8000004C;
	[dreg:$0x1] =	wrdreg $0xFFFFFFFF  }
0xa7: {  	s28 =	simm.s32 $_size_execute0_lowered;
	s3 =	sadd.s32 s3, s5;
	[dreg:$0x0] =	wrdreg $0x0  }
0xa8: {  	s5 =	sshll.u32 s28, $0x1;
	[dreg:$0x2] =	wrdreg s3  }
0xa9: {  	[dreg:$0x3] =	wrdreg s5  }
0xaa: {  	[dreg:$0x4] =	wrdreg $0xC0  }
0xab: {  	_ =	task [dreg:s7], $0x5FFFF  }
0xac: {  	[dreg:$0x1] =	wrdreg $0xFFFFFFFF  }
0xad: {  	[dreg:$0x0] =	wrdreg $0x60  }
0xae: {  	[dreg:$0x2] =	wrdreg s2  }
0xaf: {  	[dreg:$0x3] =	wrdreg s24  }
0xb0: {  	[dreg:$0x4] =	wrdreg $0x41000  }
0xb1: {  	[dreg:$0x5] =	wrdreg $0x9  }
0xb2: {  	_ =	task.clear_ibuf [dreg:s7], $0x6FFFF;
	_ =	strace $0x9000004C  }
0xb3: {  	s29 =	simm.s32 $0x9;
	_ =	strace $0x8000004E  }
0xb4: {  	_ =	swait.ge [sflag:s29], $0x1  }
0xb5: {  	[sflag:s29] =	ssyncadd.s32 $0xFFFFFFFF  }
0xb6: {  	_ =	strace $0x9000004E  }
0xb7: {  	_ =	sfence  }
0xb8: {  	s30 =	sld [smem:$0x0];
	_ =	sdelay $0x2  }
0xb9: {  	s31 =	sshll.u32 s1, $0xD;
	s1 =	sshrl.u32 s1, $0x2  }
0xba: {  	s3 =	sand.u32 $0x4000, s31;
	s1 =	sadd.s32 s1, s30  }
0xbb: {  	s0 =	sor.u32 s3, s0;
	s1 =	sshll.u32 s1, $0x11  }
0xbc: {  	s0 =	sor.u32 s1, s0  }
0xbd: {  	s0 =	sadd.s32 $0x8F2B, s0  }
0xbe: {  	[sflag:s0] =	ssyncadd.remote.s32 $0x1  }
0xbf: {  	_ =	sfence.sel $0xFFFF  }
0xc0: {  	[dreg:$0x0] =	wrdreg $0xFFFFFFFF;
	(pc) =	sbr.abs _section_cstart, $3  }
0xc1: {  	[dreg:$0x1] =	wrdreg $0xFFFFFFFF  }
0xc2: {  	_ =	task.clear_ibuf [dreg:s7], $0x2FFFF;
	_ =	strace $0x9FFFFFFF  }
0xc3: {  	(tm) =	ssettm $0x7FFFFFFF  }
tec
execute0_lowered:
.L_overlay_start_1:
0x0: {  	(tag) =	ssettag $0x1  }
0x1: {  	s2 =	rddreg [dreg:$0x0]  }
0x2: {  	s5 =	rddreg [dreg:$0x1]  }
0x3: {  	s3 =	rddreg [dreg:$0x2]  }
0x4: {  	s0 =	rddreg [dreg:$0x3]  }
0x5: {  	s1 =	stileid.u32;
	s6 =	srdreg.scid  }
0x6: {  	s4 =	simm.s32 $0x0;
	s12 =	simm.s32 $0x3;
	s13 =	simm.s32 $0x1  }
0x7: {  	s14 =	simm.s32 $0x80;
	s15 =	simm.s32 $0x100;
	s7 =	smul.u32 $0x3C, s1  }
0x8: {  	s16 =	simm.s32 $0x2;
	s17 =	simm.s32 $0x0;
	s8 =	smul.u32 $0x64, s1  }
0x9: {  	s6 =	sand.u32 $0x1, s6;
	[smem:$0x7FF] =	sst s4;
	s28 =	smul.u32 $0x13C00, s1  }
0xa: {  	s11 =	smul.u32 $0x4F000, s1;
	s31 =	sshll.u32 s1, $0x6;
	p0 =	seq.s32 s6, $0x0  }
0xb: {  	_ =	strace $0x8000004D;
	s9 =	smul.u32 $0x13C000, s6;
	s6 =	ssub.s32 $0x2, s6  }
0xc: {  	s7 =	sadd.s32 $0x640, s7;
	s29 =	sshrl.u32 s28, $0x3;
	s30 =	sshrl.u32 s6, $0x1  }
0xd: {  	s11 =	sshrl.u32 s11, $0x2;
	s7 =	smov.u32 @p0 s8;
	s8 =	sadd.s32 s28, s9  }
0xe: {  	s9 =	ssub.s32 s6, s30;
	s11 =	sadd.s32 s11, s3;
	s6 =	simm.s32 $0x64  }
0xf: {  	s7 =	sshll.u32 s7, $0x5;
	s8 =	sshrl.u32 s8, $0x3;
	s6 =	simm.s32 @!p0 $0x3C  }
0x10: {  	s9 =	smax.u32 s9, $0x1;
	s10 =	sadd.s32 s7, s5;
	s7 =	sadd.s32 s29, s5  }
0x11: {  	s11 =	sshrl.u32 s11, $0x3;
	s8 =	sadd.s32 s8, s5;
	s5 =	sadd.s32 $0x16600, s7  }
0x12: {  	s7 =	sor.u32 $0x1C03, s31;
	s8 =	sadd.s32 $0x8CE00, s8;
	s10 =	sadd.s32 $0x2400, s10  }
.LBB2_1:
0x13: {  	[spmem:s11], [sflag:s7] =	dma.local [hbm:s5], $0x2780  }
0x14: {  	_ =	swait.ge [sflag:s12], $0x2780  }
0x15: {  	[sflag:s12] =	ssyncset.done $0x0  }
0x16: {  	[sflag:s12] =	ssyncadd.s32 $0xFFFFD880  }
0x17: {  	[bflag:$0x0] =	sbarrier.arrive $0xFFFF  }
0x18: {  	[tilespmem:s4], [sflag:$0x1] =	stream.linear.gather [hbm4b:s10+s4], $0x100, $0x38;
	[tilespmem:$0x17D00] =	vst v63  }
0x19: {  	_ =	swait.ge [sflag:s13], $0x100  }
0x1a: {  	[sflag:s13] =	ssyncset.done $0x0  }
0x1b: {  	[sflag:s13] =	ssyncadd.s32 $0xFFFFFF00  }
0x1c: {  	[tilespmem:s15], [sflag:$0x2] =	stream.indirect.gather [hbm4b:s2+s14], $0x80, s4, s14, $0xb8;
	[tilespmem:$0x17D00] =	vst v63  }
0x1d: {  	p0 =	sne.s32 s6, $0x1;
	_ =	swait.ge [sflag:s16], $0x4000  }
.Ltmp0:
0x1e: {  	[sflag:s16] =	ssyncset.done $0x0;
	(pc) =	sbr.rel @!p0 .LBB2_3-.Ltmp0, $4  }
0x1f: {  	[sflag:s16] =	ssyncadd.s32 $0xFFFFC000  }
0x20: {  	[spmem:s3] =	stream.indirect.scatter.add.f32 [tilespmem:s15], [sflag:$0x3], $0x80, s14, s14, $0xb8;
	[tilespmem:$0x17D00] =	vst v63  }
0x21: {  	_ =	swait.ge [sflag:s12], $0x4000  }
0x22: {  	s18 =	sadd.s32 $0xFFFFFFFF, s6;
	s19 =	smov.u32 s10;
	[sflag:s12] =	ssyncset.done $0x0  }
.LBB2_2:
0x23: {  	p0 =	sne.s32 s18, $0x1;
	[sflag:s12] =	ssyncadd.s32 $0xFFFFC000;
	s19 =	sadd.s32 $0x20, s19  }
0x24: {  	[tilespmem:s4], [sflag:$0x1] =	stream.linear.gather [hbm4b:s19+s4], $0x100, $0x38;
	[tilespmem:$0x17D00] =	vst v63  }
0x25: {  	s18 =	sadd.s32 $0xFFFFFFFF, s18;
	_ =	swait.ge [sflag:s13], $0x100  }
0x26: {  	[sflag:s13] =	ssyncset.done $0x0  }
0x27: {  	[sflag:s13] =	ssyncadd.s32 $0xFFFFFF00  }
0x28: {  	[tilespmem:s15], [sflag:$0x2] =	stream.indirect.gather [hbm4b:s2+s14], $0x80, s4, s14, $0xb8;
	[tilespmem:$0x17D00] =	vst v63  }
0x29: {  	_ =	swait.ge [sflag:s16], $0x4000  }
.Ltmp1:
0x2a: {  	[sflag:s16] =	ssyncset.done $0x0;
	(pc) =	sbr.rel @p0 .LBB2_2-.Ltmp1, $4  }
0x2b: {  	[sflag:s16] =	ssyncadd.s32 $0xFFFFC000  }
0x2c: {  	[spmem:s3] =	stream.indirect.scatter.add.f32 [tilespmem:s15], [sflag:$0x3], $0x80, s14, s14, $0xb8;
	[tilespmem:$0x17D00] =	vst v63  }
0x2d: {  	_ =	swait.ge [sflag:s12], $0x4000  }
0x2e: {  	[sflag:s12] =	ssyncset.done $0x0  }
.LBB2_3:
0x2f: {  	s17 =	sadd.s32 $0x1, s17  }
0x30: {  	[sflag:s12] =	ssyncadd.s32 $0xFFFFC000;
	p0 =	sne.s32 s17, s9  }
.Ltmp2:
0x31: {  	[bflag:$0x0] =	sbarrier.arrive $0xFFFF;
	(pc) =	sbr.rel @p0 .LBB2_1-.Ltmp2, $4  }
0x32: {  	[hbm:s8], [sflag:s7] =	dma.local [spmem:s11], $0x2780  }
0x33: {  	_ =	swait.ge [sflag:s12], $0x2780  }
0x34: {  	[sflag:s12] =	ssyncset.done $0x0  }
0x35: {  	[sflag:s12] =	ssyncadd.s32 $0xFFFFD880  }
0x36: {  	_ =	sfence.sel $0x180000  }
0x37: {  	[bflag:$0x0] =	sbarrier.arrive $0xFFFF  }
0x38: {  	p0 =	sne.s32 s1, $0x0;
	_ =	strace $0x9000004D  }
0x39: {  	s0 =	sadd.s32 @!p0 $0x100000, s0;
	[bflag:$0x2] =	sbarrier.arrive $0xFFFF  }
0x3a: {  	[sflag:s0] =	ssyncadd.tile.s32 @!p0 $0x1;
	_ =	shalt  }
.Lfunc_end2:
_tile_overlayer_lowered:
.L_overlay_start_2:
0x3b: {  	(tag) =	ssettag $0x2  }
0x3c: {  	s0 =	rddreg [dreg:$0x0];
	s2 =	stileid.u32  }
0x3d: {  	s1 =	rddreg [dreg:$0x1];
	p0 =	sne.s32 s2, $0x0  }
0x3e: {  	s3 =	rddreg [dreg:$0x2];
	[bflag:$0x3] =	sbarrier.arrive $0xFFFF;
	s2 =	simm.s32 @!p0 $0x1C03  }
0x3f: {  	[timem:s3], [sflag:s2] =	dma.local @!p0 [hbm:s0], s1  }
0x40: {  	s0 =	simm.s32 @!p0 $0x3  }
0x41: {  	_ =	swait.ge @!p0 [sflag:s0], s1  }
0x42: {  	s1 =	ssub.s32 @!p0 $0x0, s1;
	[sflag:s0] =	ssyncset.done @!p0 $0x0  }
0x43: {  	[sflag:s0] =	ssyncadd.s32 @!p0 s1  }
0x44: {  	[bflag:$0x3] =	sbarrier.arrive $0xFFFF  }
0x45: {  	_ =	shalt  }

// kernel: kernel.8.cloned.1.call-start
scs
__scs_entry_jumppad:
0x0: {  	(pc) =	sbr.rel $0x88, $3  }
0x1: {  	(tag) =	ssettag $0x0;
	lr =	simm.s32 $0x1  }
0x2: {  	[smem:$0x3F9B] =	sst lr;
	_ =	strace $0xD0000000  }
0x3: {  	_ = 	snop  }
0x4: {  	_ = 	snop  }
0x5: {  	_ = 	snop  }
0x6: {  	_ = 	snop  }
0x7: {  	_ = 	snop  }
__scs_overlays_trampoline_lowered:
0x8: {  	[smem:$0x3FAA] =	sst s0  }
0x9: {  	[smem:$0x3FAB] =	sst s1  }
0xa: {  	[smem:$0x3FAC] =	sst s2  }
0xb: {  	[smem:$0x3FAD] =	sst s3  }
0xc: {  	[smem:$0x3FAE] =	sst s4  }
0xd: {  	[smem:$0x3FAF] =	sst s5  }
0xe: {  	[smem:$0x3FB0] =	sst s6  }
0xf: {  	[smem:$0x3FB1] =	sst s7  }
0x10: {  	[smem:$0x3FB2] =	sst s8  }
0x11: {  	[smem:$0x3FB3] =	sst s9;
	s0 =	simm.s32 @!p0 $0x0  }
0x12: {  	s1 =	sld [smem:$0x3F99];
	s0 =	simm.s32 @p0 $0x1  }
0x13: {  	[smem:$0x3FB4] =	sst s0;
	s0 =	simm.s32 @!p1 $0x0  }
0x14: {  	s2 =	sld [smem:$0x3F98];
	s0 =	simm.s32 @p1 $0x1  }
0x15: {  	[smem:$0x3FB5] =	sst s0;
	s0 =	simm.s32 @!p2 $0x0  }
0x16: {  	s3 =	sld [smem:$0x3FDB];
	s0 =	simm.s32 @p2 $0x1  }
0x17: {  	s4 =	simm.s32 $0x1BF5;
	[smem:$0x3FB7] =	sst s0  }
0x18: {  	s0 =	sld [smem:$0x3F9A];
	_ =	swait.ge [sflag:s4], $0x0  }
0x19: {  	s7 =	sld [smem:$0x3F9B]  }
0x1a: {  	s8 =	sadd.s32 $0xFFFFE003, lr  }
0x1b: {  	s9 =	sadd.s32 $0xFFFFFEF7, lr;
	s5 =	simm.s32 $0xFFFFFFFF;
	p2 =	slt.u32 s8, $0xFFFFF086  }
0x1c: {  	p1 =	slt.u32 s9, $0xF7A;
	s5 =	simm.s32 @!p2 $0x0  }
0x1d: {  	s5 =	simm.s32 @p1 $0x1;
	p0 =	seq.s32 s7, s2  }
0x1e: {  	s7 =	smul.u32 @!p0 $0xF7A, s2;
	p2 =	seq.s32 @!p0 s5, $0x0  }
0x1f: {  	s9 =	smul.u32 $0xF7A, s1;
	s8 =	simm.s32 @!p0 $0x1BF5;
	p2 =	por !p2, p0  }
0x20: {  	[sflag:s8] =	ssyncset.s32 @!p0 $0xFFFFF086;
	s6 =	sadd.s32 @!p0 s3, s7;
	s7 =	simm.s32 @!p0 $0x108  }
0x21: {  	s3 =	sadd.s32 s3, s9;
	s6 =	sadd.s32 @!p0 $0x88, s6;
	s7 =	simm.s32 @p2 $0x1082  }
0x22: {  	[simem:s7], [sflag:s8] =	dma.local @!p0 [hbm:s6], $0xF7A  }
0x23: {  	s9 =	sor.u32 $0xD0000000, s2;
	s6 =	simm.s32 $0x108;
	_ =	swait.ge @!p0 [sflag:s8], $0x0  }
0x24: {  	s3 =	sadd.s32 $0x88, s3;
	s6 =	simm.s32 @!p1 $0x1082;
	[sflag:s4] =	ssyncset.s32 $0xFFFFF086  }
0x25: {  	[simem:s6], [sflag:s4] =	dma.local [hbm:s3], $0xF7A  }
0x26: {  	[smem:$0x3F9B] =	sst s1;
	(tag) =	ssettag s2;
	_ =	strace s9  }
0x27: {  	s1 =	sld [smem:$0x3FAB]  }
0x28: {  	s2 =	sld [smem:$0x3FAC]  }
0x29: {  	s4 =	sld [smem:$0x3FAE]  }
0x2a: {  	p0 =	seq.s32 s5, $0x0;
	s5 =	sld [smem:$0x3FAF]  }
0x2b: {  	s6 =	sld [smem:$0x3FB0]  }
0x2c: {  	s7 =	sld [smem:$0x3FB1]  }
0x2d: {  	s3 =	simm.s32 $0x108;
	s8 =	sld [smem:$0x3FB2]  }
0x2e: {  	s3 =	simm.s32 @!p0 $0x1082;
	s9 =	sld [smem:$0x3FB3]  }
0x2f: {  	lr =	sadd.s32 s0, s3;
	s0 =	sld [smem:$0x3FAA]  }
0x30: {  	s3 =	sld [smem:$0x3FAD]  }
0x31: {  	[smem:$0x3FB6] =	sst s10  }
0x32: {  	s10 =	sld [smem:$0x3FB4];
	_ =	sdelay $0x3  }
0x33: {  	p0 =	seq.s32 s10, $0x1;
	s10 =	sld [smem:$0x3FB6];
	_ =	sdelay $0x3  }
0x34: {  	[smem:$0x3FB6] =	sst s10  }
0x35: {  	s10 =	sld [smem:$0x3FB5];
	_ =	sdelay $0x3  }
0x36: {  	p1 =	seq.s32 s10, $0x1;
	s10 =	sld [smem:$0x3FB6];
	_ =	sdelay $0x3  }
0x37: {  	[smem:$0x3FB6] =	sst s10  }
0x38: {  	s10 =	sld [smem:$0x3FB7]  }
0x39: {  	_ = 	snop;
	(pc) =	sbr.ind lr, $3  }
0x3a: {  	_ = 	snop  }
0x3b: {  	_ = 	snop  }
0x3c: {  	p2 =	seq.s32 s10, $0x1;
	s10 =	sld [smem:$0x3FB6]  }
0x3d: {  	_ =	shalt  }
0x3e: {  	_ =	shalt  }
0x3f: {  	_ =	shalt  }
0x40: {  	_ =	shalt  }
0x41: {  	_ =	shalt  }
0x42: {  	_ =	shalt  }
0x43: {  	_ =	shalt  }
0x44: {  	_ =	shalt  }
0x45: {  	_ =	shalt  }
0x46: {  	_ =	shalt  }
0x47: {  	_ =	shalt  }
0x48: {  	_ =	shalt  }
0x49: {  	_ =	shalt  }
0x4a: {  	_ =	shalt  }
0x4b: {  	_ =	shalt  }
0x4c: {  	_ =	shalt  }
0x4d: {  	_ =	shalt  }
0x4e: {  	_ =	shalt  }
0x4f: {  	_ =	shalt  }
0x50: {  	_ =	shalt  }
0x51: {  	_ =	shalt  }
0x52: {  	_ =	shalt  }
0x53: {  	_ =	shalt  }
0x54: {  	_ =	shalt  }
0x55: {  	_ =	shalt  }
0x56: {  	_ =	shalt  }
0x57: {  	_ =	shalt  }
0x58: {  	_ =	shalt  }
0x59: {  	_ =	shalt  }
0x5a: {  	_ =	shalt  }
0x5b: {  	_ =	shalt  }
0x5c: {  	_ =	shalt  }
0x5d: {  	_ =	shalt  }
0x5e: {  	_ =	shalt  }
0x5f: {  	_ =	shalt  }
0x60: {  	_ =	shalt  }
0x61: {  	_ =	shalt  }
0x62: {  	_ =	shalt  }
0x63: {  	_ =	shalt  }
0x64: {  	_ =	shalt  }
0x65: {  	_ =	shalt  }
0x66: {  	_ =	shalt  }
0x67: {  	_ =	shalt  }
0x68: {  	_ =	shalt  }
0x69: {  	_ =	shalt  }
0x6a: {  	_ =	shalt  }
0x6b: {  	_ =	shalt  }
0x6c: {  	_ =	shalt  }
0x6d: {  	_ =	shalt  }
0x6e: {  	_ =	shalt  }
0x6f: {  	_ =	shalt  }
0x70: {  	_ =	shalt  }
0x71: {  	_ =	shalt  }
0x72: {  	_ =	shalt  }
0x73: {  	_ =	shalt  }
0x74: {  	_ =	shalt  }
0x75: {  	_ =	shalt  }
0x76: {  	_ =	shalt  }
0x77: {  	_ =	shalt  }
0x78: {  	_ =	shalt  }
0x79: {  	_ =	shalt  }
0x7a: {  	_ =	shalt  }
0x7b: {  	_ =	shalt  }
0x7c: {  	_ =	shalt  }
0x7d: {  	_ =	shalt  }
0x7e: {  	_ =	shalt  }
0x7f: {  	_ =	shalt  }
0x80: {  	_ =	shalt  }
0x81: {  	_ =	shalt  }
0x82: {  	_ =	shalt  }
0x83: {  	_ =	shalt  }
0x84: {  	_ =	shalt  }
0x85: {  	_ =	shalt  }
0x86: {  	_ =	shalt  }
0x87: {  	_ =	shalt  }
.Lfunc_end0:
.L_simem_size_0:
called_computation_lowered:
.L_overlay_start_0:
0x88: {  	s2 =	sld [smem:$0x3FD9]  }
0x89: {  	s3 =	sld [smem:$0x3FFE];
	_ =	sdelay $0x1  }
0x8a: {  	s1 =	srdreg.scid  }
0x8b: {  	s0 =	sand.u32 $0x1, s1  }
0x8c: {  	s17 =	sshll.u32 s0, $0xA;
	s2 =	sadd.s32 s3, s2  }
0x8d: {  	s2 =	sadd.s32 s2, s17  }
0x8e: {  	[smem:$0x3FC2] =	sst s2  }
0x8f: {  	_ = 	snop  }
0x90: {  	s2 =	sld [smem:$0x3FD0];
	(tm) =	ssettm $0x1  }
0x91: {  	s18 =	sld [smem:$0x3FFB];
	_ =	sdelay $0x3  }
0x92: {  	_ =	strace s18  }
0x93: {  	s3 =	sld [smem:$0x3FFC];
	_ =	sdelay $0x3  }
0x94: {  	_ =	strace s3  }
0x95: {  	s3 =	sld [smem:$0x3FFD];
	_ =	sdelay $0x3  }
0x96: {  	_ =	strace s3  }
0x97: {  	_ =	strace $0x8FFFFFFF  }
0x98: {  	s19 =	sld [smem:$0x3FDB];
	_ =	sdelay $0x1  }
0x99: {  	s4 =	simm.s32 $_scs_section_size  }
0x9a: {  	s5 =	simm.s32 $_size__tile_overlayer_lowered;
	s6 =	simm.s32 $_tile_overlayer_lowered  }
0x9b: {  	s22 =	simm.s32 $0x1BFF;
	s21 =	sshll.u32 s6, $0x1;
	s3 =	sadd.s32 s4, s19  }
0x9c: {  	s7 =	simm.s32 $0x0;
	s20 =	sshll.u32 s5, $0x1;
	s5 =	sadd.s32 s21, s3  }
0x9d: {  	[timem:s7], [sflag:s22] =	dma.local [hbm:s5], s20  }
0x9e: {  	_ =	swait.ge [sflag:s22], s20  }
0x9f: {  	s4 =	ssub.s32 $0x0, s20;
	[sflag:s22] =	ssyncset.done $0x0  }
0xa0: {  	[sflag:s22] =	ssyncadd.s32 s4;
	_ =	sdelay $0x1  }
0xa1: {  	s23 =	simm.s32 $0x1B8B  }
0xa2: {  	_ =	swait.ge [sflag:s23], $0x1  }
0xa3: {  	[sflag:s23] =	ssyncset.done $0x0  }
0xa4: {  	s25 =	simm.s32 $0x1B8E;
	s24 =	sld [smem:$0x3FFE];
	[sflag:s23] =	ssyncadd.s32 $0xFFFFFFFF  }
0xa5: {  	s26 =	simm.s32 $execute0_lowered;
	[smem:$0x3FD2] =	sst s25  }
0xa6: {  	s5 =	sshll.u32 s26, $0x1;
	_ =	strace $0x80000046;
	[dreg:$0x1] =	wrdreg $0xFFFFFFFF  }
0xa7: {  	s28 =	simm.s32 $_size_execute0_lowered;
	s3 =	sadd.s32 s3, s5;
	[dreg:$0x0] =	wrdreg $0x0  }
0xa8: {  	s5 =	sshll.u32 s28, $0x1;
	[dreg:$0x2] =	wrdreg s3  }
0xa9: {  	[dreg:$0x3] =	wrdreg s5  }
0xaa: {  	[dreg:$0x4] =	wrdreg $0xC0  }
0xab: {  	_ =	task [dreg:s7], $0x5FFFF  }
0xac: {  	[dreg:$0x1] =	wrdreg $0xFFFFFFFF  }
0xad: {  	[dreg:$0x0] =	wrdreg $0x60  }
0xae: {  	[dreg:$0x2] =	wrdreg s24  }
0xaf: {  	[dreg:$0x3] =	wrdreg s2  }
0xb0: {  	[dreg:$0x4] =	wrdreg $0x44000  }
0xb1: {  	[dreg:$0x5] =	wrdreg $0x9  }
0xb2: {  	_ =	task.clear_ibuf [dreg:s7], $0x6FFFF;
	_ =	strace $0x90000046  }
0xb3: {  	s29 =	simm.s32 $0x9;
	_ =	strace $0x80000048  }
0xb4: {  	_ =	swait.ge [sflag:s29], $0x1  }
0xb5: {  	[sflag:s29] =	ssyncadd.s32 $0xFFFFFFFF  }
0xb6: {  	_ =	strace $0x90000048  }
0xb7: {  	_ =	sfence  }
0xb8: {  	s30 =	sld [smem:$0x0];
	_ =	sdelay $0x2  }
0xb9: {  	s31 =	sshll.u32 s1, $0xD;
	s1 =	sshrl.u32 s1, $0x2  }
0xba: {  	s3 =	sand.u32 $0x4000, s31;
	s1 =	sadd.s32 s1, s30  }
0xbb: {  	s0 =	sor.u32 s3, s0;
	s1 =	sshll.u32 s1, $0x11  }
0xbc: {  	s0 =	sor.u32 s1, s0  }
0xbd: {  	s0 =	sadd.s32 $0x8F2B, s0  }
0xbe: {  	[sflag:s0] =	ssyncadd.remote.s32 $0x1  }
0xbf: {  	_ =	sfence.sel $0xFFFF  }
0xc0: {  	[dreg:$0x0] =	wrdreg $0xFFFFFFFF;
	(pc) =	sbr.abs _section_cstart, $3  }
0xc1: {  	[dreg:$0x1] =	wrdreg $0xFFFFFFFF  }
0xc2: {  	_ =	task.clear_ibuf [dreg:s7], $0x2FFFF;
	_ =	strace $0x9FFFFFFF  }
0xc3: {  	(tm) =	ssettm $0x7FFFFFFF  }
tec
execute0_lowered:
.L_overlay_start_1:
0x0: {  	(tag) =	ssettag $0x1  }
0x1: {  	s0 =	rddreg [dreg:$0x0]  }
0x2: {  	s3 =	rddreg [dreg:$0x2]  }
0x3: {  	s13 =	stileid.u32;
	s1 =	srdreg.scid;
	s4 =	simm.s32 $0x0  }
0x4: {  	s18 =	simm.s32 $0x400;
	s19 =	simm.s32 $0x100;
	s20 =	simm.s32 $0x200  }
0x5: {  	s28 =	simm.s32 $0x3;
	s29 =	simm.s32 $0x280;
	s2 =	smul.u32 $0x13C00, s13  }
0x6: {  	s30 =	simm.s32 $0x6;
	s31 =	simm.s32 $0x4;
	s8 =	smul.u32 $0x4F000, s13  }
0x7: {  	s1 =	sand.u32 $0x1, s1;
	[smem:$0x7FF] =	sst s4;
	s17 =	smul.u32 $0xA00, s13  }
0x8: {  	s15 =	sadd.s32 $0x2400, s0;
	s24 =	sshll.u32 s13, $0x6;
	s5 =	smul.u32 $0x13C000, s1  }
0x9: {  	_ =	strace $0x80000047;
	s21 =	sshll.u32 s1, $0x4;
	s7 =	ssub.s32 $0x2, s1  }
0xa: {  	s1 =	smul.u32 $0xA000, s1;
	s6 =	sshrl.u32 s2, $0x3;
	s9 =	sshrl.u32 s7, $0x1  }
0xb: {  	s23 =	sshrl.u32 s8, $0x2;
	s6 =	sadd.s32 s6, s0;
	s2 =	sadd.s32 s2, s5  }
0xc: {  	s5 =	sor.u32 s13, s21;
	s22 =	ssub.s32 s7, s9;
	s16 =	sadd.s32 s23, s3  }
0xd: {  	s7 =	sor.u32 $0x1C07, s24;
	s26 =	sadd.s32 s1, s15;
	s21 =	simm.s32 $0x1  }
0xe: {  	s23 =	simm.s32 $0x300;
	s24 =	simm.s32 $0x2;
	s1 =	simm.s32 $0x0  }
0xf: {  	s2 =	sshrl.u32 s2, $0x3;
	s5 =	smul.u32 $0xA00, s5;
	s6 =	sadd.s32 $0x16600, s6  }
0x10: {  	s14 =	smax.u32 s22, $0x1;
	s16 =	sshrl.u32 s16, $0x3;
	s22 =	simm.s32 $0x80  }
0x11: {  	s0 =	sadd.s32 s2, s0;
	[dreg:$0x4] =	wrdreg s6;
	s5 =	sadd.s32 s15, s5  }
0x12: {  	s13 =	sadd.s32 $0x3DE00, s0;
	s15 =	sadd.s32 s17, s26;
	s17 =	simm.s32 $0x7  }
0x13: {  	s26 =	simm.s32 $0x5;
	s0 =	simm.s32 $0x380;
	s25 =	sadd.s32 $0x20, s5  }
0x14: {  	s9 =	sadd.s32 $0x40, s5;
	s10 =	sadd.s32 $0x60, s5;
	s11 =	sadd.s32 $0x80, s5  }
0x15: {  	s12 =	sadd.s32 $0xA0, s5;
	[dreg:$0x5] =	wrdreg s25;
	s25 =	simm.s32 $0x180  }
.LBB2_1:
0x16: {  	s2 =	rddreg [dreg:$0x4]  }
0x17: {  	[spmem:s16], [sflag:s7] =	dma.local [hbm:s2], $0x2780  }
0x18: {  	_ =	swait.ge [sflag:s17], $0x2780  }
0x19: {  	[sflag:s17] =	ssyncset.done $0x0  }
0x1a: {  	[sflag:s17] =	ssyncadd.s32 $0xFFFFD880  }
0x1b: {  	s8 =	rddreg [dreg:$0x1]  }
0x1c: {  	[tilespmem:s18], [sflag:$0x7] =	stream.linear.gather [hbm4b:s8+s4], $0x4000, $0x38;
	[tilespmem:$0x18000] =	vst v63  }
0x1d: {  	_ =	swait.ge [sflag:s17], $0x4000  }
0x1e: {  	[sflag:s17] =	ssyncset.done $0x0  }
0x1f: {  	[sflag:s17] =	ssyncadd.s32 $0xFFFFC000  }
0x20: {  	[bflag:$0x0] =	sbarrier.arrive $0xFFFF  }
0x21: {  	[tilespmem:s4], [sflag:$0x1] =	stream.linear.gather [hbm4b:s5+s4], $0x100, $0x38;
	[tilespmem:$0x18000] =	vst v63  }
0x22: {  	s6 =	rddreg [dreg:$0x5]  }
0x23: {  	[tilespmem:s19], [sflag:$0x2] =	stream.linear.gather [hbm4b:s6+s4], $0x100, $0x38;
	[tilespmem:$0x18000] =	vst v63  }
0x24: {  	_ = 	snop  }
0x25: {  	[tilespmem:s20], [sflag:$0x3] =	stream.linear.gather [hbm4b:s9+s4], $0x100, $0x38;
	[tilespmem:$0x18000] =	vst v63  }
0x26: {  	_ =	swait.ge [sflag:s21], $0x100  }
0x27: {  	[sflag:s21] =	ssyncset.done $0x0  }
0x28: {  	[sflag:s21] =	ssyncadd.s32 $0xFFFFFF00  }
0x29: {  	[spmem:s3] =	stream.indirect.scatter.add.f32 [tilespmem:s18], [sflag:$0x5], $0x80, s22, s22, $0xb8;
	[tilespmem:$0x18000] =	vst v63  }
0x2a: {  	_ = 	snop  }
0x2b: {  	[tilespmem:s23], [sflag:$0x4] =	stream.linear.gather [hbm4b:s10+s4], $0x100, $0x38;
	[tilespmem:$0x18000] =	vst v63  }
0x2c: {  	_ =	swait.ge [sflag:s24], $0x100  }
0x2d: {  	[sflag:s24] =	ssyncset.done $0x0  }
0x2e: {  	[sflag:s24] =	ssyncadd.s32 $0xFFFFFF00  }
0x2f: {  	[spmem:s3] =	stream.indirect.scatter.add.f32 [tilespmem:s18], [sflag:$0x6], $0x80, s25, s22, $0xb8;
	[tilespmem:$0x18000] =	vst v63  }
0x30: {  	_ =	swait.ge [sflag:s26], $0x4000  }
0x31: {  	[sflag:s26] =	ssyncset.done $0x0  }
0x32: {  	[sflag:s26] =	ssyncadd.s32 $0xFFFFC000  }
0x33: {  	[tilespmem:s4], [sflag:$0x1] =	stream.linear.gather [hbm4b:s11+s4], $0x100, $0x38;
	[tilespmem:$0x18000] =	vst v63  }
0x34: {  	_ =	swait.ge [sflag:s28], $0x100  }
0x35: {  	[sflag:s28] =	ssyncset.done $0x0  }
0x36: {  	[sflag:s28] =	ssyncadd.s32 $0xFFFFFF00  }
0x37: {  	[spmem:s3] =	stream.indirect.scatter.add.f32 [tilespmem:s18], [sflag:$0x5], $0x80, s29, s22, $0xb8;
	[tilespmem:$0x18000] =	vst v63  }
0x38: {  	_ =	swait.ge [sflag:s30], $0x4000  }
0x39: {  	[sflag:s30] =	ssyncset.done $0x0  }
0x3a: {  	[sflag:s30] =	ssyncadd.s32 $0xFFFFC000  }
0x3b: {  	[tilespmem:s19], [sflag:$0x2] =	stream.linear.gather [hbm4b:s12+s4], $0x100, $0x38;
	[tilespmem:$0x18000] =	vst v63  }
0x3c: {  	_ =	swait.ge [sflag:s31], $0x100  }
0x3d: {  	[sflag:s31] =	ssyncset.done $0x0  }
0x3e: {  	[sflag:s31] =	ssyncadd.s32 $0xFFFFFF00  }
0x3f: {  	[spmem:s3] =	stream.indirect.scatter.add.f32 [tilespmem:s18], [sflag:$0x6], $0x80, s0, s22, $0xb8;
	[tilespmem:$0x18000] =	vst v63  }
0x40: {  	_ =	swait.ge [sflag:s26], $0x4000  }
0x41: {  	s2 =	sadd.s32 $0x0, s15;
	[sflag:s26] =	ssyncset.done $0x0  }
0x42: {  	s6 =	sadd.s32 $0xC0, s2;
	[sflag:s26] =	ssyncadd.s32 $0xFFFFC000  }
0x43: {  	[tilespmem:s20], [sflag:$0x3] =	stream.linear.gather [hbm4b:s6+s4], $0x100, $0x38;
	[tilespmem:$0x18000] =	vst v63  }
0x44: {  	_ =	swait.ge [sflag:s21], $0x100  }
0x45: {  	[sflag:s21] =	ssyncset.done $0x0  }
0x46: {  	[sflag:s21] =	ssyncadd.s32 $0xFFFFFF00  }
0x47: {  	[spmem:s3] =	stream.indirect.scatter.add.f32 [tilespmem:s18], [sflag:$0x5], $0x80, s22, s22, $0xb8;
	[tilespmem:$0x18000] =	vst v63  }
0x48: {  	_ =	swait.ge [sflag:s30], $0x4000  }
0x49: {  	[sflag:s30] =	ssyncset.done $0x0  }
0x4a: {  	s8 =	sadd.s32 $0xE0, s2;
	[sflag:s30] =	ssyncadd.s32 $0xFFFFC000  }
0x4b: {  	[tilespmem:s23], [sflag:$0x4] =	stream.linear.gather [hbm4b:s8+s4], $0x100, $0x38;
	[tilespmem:$0x18000] =	vst v63  }
0x4c: {  	_ =	swait.ge [sflag:s24], $0x100  }
0x4d: {  	[sflag:s24] =	ssyncset.done $0x0  }
0x4e: {  	[sflag:s24] =	ssyncadd.s32 $0xFFFFFF00  }
0x4f: {  	[spmem:s3] =	stream.indirect.scatter.add.f32 [tilespmem:s18], [sflag:$0x6], $0x80, s25, s22, $0xb8;
	[tilespmem:$0x18000] =	vst v63  }
0x50: {  	_ =	swait.ge [sflag:s26], $0x4000  }
0x51: {  	[sflag:s26] =	ssyncset.done $0x0  }
0x52: {  	s8 =	sadd.s32 $0x100, s2;
	[sflag:s26] =	ssyncadd.s32 $0xFFFFC000  }
0x53: {  	[tilespmem:s4], [sflag:$0x1] =	stream.linear.gather [hbm4b:s8+s4], $0x100, $0x38;
	[tilespmem:$0x18000] =	vst v63  }
0x54: {  	_ =	swait.ge [sflag:s28], $0x100  }
0x55: {  	[sflag:s28] =	ssyncset.done $0x0  }
0x56: {  	[sflag:s28] =	ssyncadd.s32 $0xFFFFFF00  }
0x57: {  	[spmem:s3] =	stream.indirect.scatter.add.f32 [tilespmem:s18], [sflag:$0x5], $0x80, s29, s22, $0xb8;
	[tilespmem:$0x18000] =	vst v63  }
0x58: {  	_ =	swait.ge [sflag:s30], $0x4000  }
0x59: {  	[sflag:s30] =	ssyncset.done $0x0  }
0x5a: {  	s2 =	sadd.s32 $0x120, s2;
	[sflag:s30] =	ssyncadd.s32 $0xFFFFC000  }
0x5b: {  	[tilespmem:s19], [sflag:$0x2] =	stream.linear.gather [hbm4b:s2+s4], $0x100, $0x38;
	[tilespmem:$0x18000] =	vst v63  }
0x5c: {  	_ =	swait.ge [sflag:s31], $0x100  }
0x5d: {  	[sflag:s31] =	ssyncset.done $0x0  }
0x5e: {  	s2 =	simm.s32 $0x80;
	[sflag:s31] =	ssyncadd.s32 $0xFFFFFF00  }
.LBB2_2:
0x5f: {  	[spmem:s3] =	stream.indirect.scatter.add.f32 [tilespmem:s18], [sflag:$0x6], $0x80, s0, s22, $0xb8;
	[tilespmem:$0x18000] =	vst v63  }
0x60: {  	s6 =	smov.u32 s2  }
0x61: {  	p0 =	sne.s32 s2, $0x900;
	s2 =	sadd.s32 $0x80, s2;
	_ =	swait.ge [sflag:s26], $0x4000  }
0x62: {  	s6 =	sadd.s32 s6, s15;
	[sflag:s26] =	ssyncset.done $0x0  }
0x63: {  	s8 =	sadd.s32 $0xC0, s6;
	[sflag:s26] =	ssyncadd.s32 $0xFFFFC000  }
0x64: {  	[tilespmem:s20], [sflag:$0x3] =	stream.linear.gather [hbm4b:s8+s4], $0x100, $0x38;
	[tilespmem:$0x18000] =	vst v63  }
0x65: {  	_ =	swait.ge [sflag:s21], $0x100  }
0x66: {  	[sflag:s21] =	ssyncset.done $0x0  }
0x67: {  	[sflag:s21] =	ssyncadd.s32 $0xFFFFFF00  }
0x68: {  	[spmem:s3] =	stream.indirect.scatter.add.f32 [tilespmem:s18], [sflag:$0x5], $0x80, s22, s22, $0xb8;
	[tilespmem:$0x18000] =	vst v63  }
0x69: {  	_ =	swait.ge [sflag:s30], $0x4000  }
0x6a: {  	[sflag:s30] =	ssyncset.done $0x0  }
0x6b: {  	s8 =	sadd.s32 $0xE0, s6;
	[sflag:s30] =	ssyncadd.s32 $0xFFFFC000  }
0x6c: {  	[tilespmem:s23], [sflag:$0x4] =	stream.linear.gather [hbm4b:s8+s4], $0x100, $0x38;
	[tilespmem:$0x18000] =	vst v63  }
0x6d: {  	_ =	swait.ge [sflag:s24], $0x100  }
0x6e: {  	[sflag:s24] =	ssyncset.done $0x0  }
0x6f: {  	[sflag:s24] =	ssyncadd.s32 $0xFFFFFF00  }
0x70: {  	[spmem:s3] =	stream.indirect.scatter.add.f32 [tilespmem:s18], [sflag:$0x6], $0x80, s25, s22, $0xb8;
	[tilespmem:$0x18000] =	vst v63  }
0x71: {  	_ =	swait.ge [sflag:s26], $0x4000  }
0x72: {  	[sflag:s26] =	ssyncset.done $0x0  }
0x73: {  	s8 =	sadd.s32 $0x100, s6;
	[sflag:s26] =	ssyncadd.s32 $0xFFFFC000  }
0x74: {  	[tilespmem:s4], [sflag:$0x1] =	stream.linear.gather [hbm4b:s8+s4], $0x100, $0x38;
	[tilespmem:$0x18000] =	vst v63  }
0x75: {  	_ =	swait.ge [sflag:s28], $0x100  }
0x76: {  	[sflag:s28] =	ssyncset.done $0x0  }
0x77: {  	[sflag:s28] =	ssyncadd.s32 $0xFFFFFF00  }
0x78: {  	[spmem:s3] =	stream.indirect.scatter.add.f32 [tilespmem:s18], [sflag:$0x5], $0x80, s29, s22, $0xb8;
	[tilespmem:$0x18000] =	vst v63  }
0x79: {  	_ =	swait.ge [sflag:s30], $0x4000  }
0x7a: {  	[sflag:s30] =	ssyncset.done $0x0  }
.Ltmp0:
0x7b: {  	s6 =	sadd.s32 $0x120, s6;
	[sflag:s30] =	ssyncadd.s32 $0xFFFFC000;
	(pc) =	sbr.rel @p0 .LBB2_2-.Ltmp0, $4  }
0x7c: {  	[tilespmem:s19], [sflag:$0x2] =	stream.linear.gather [hbm4b:s6+s4], $0x100, $0x38;
	[tilespmem:$0x18000] =	vst v63  }
0x7d: {  	_ =	swait.ge [sflag:s31], $0x100  }
0x7e: {  	[sflag:s31] =	ssyncset.done $0x0  }
0x7f: {  	[sflag:s31] =	ssyncadd.s32 $0xFFFFFF00  }
0x80: {  	[spmem:s3] =	stream.indirect.scatter.add.f32 [tilespmem:s18], [sflag:$0x6], $0x80, s0, s22, $0xb8;
	[tilespmem:$0x18000] =	vst v63  }
0x81: {  	_ =	swait.ge [sflag:s26], $0x4000  }
0x82: {  	[sflag:s26] =	ssyncset.done $0x0  }
0x83: {  	[sflag:s26] =	ssyncadd.s32 $0xFFFFC000  }
0x84: {  	_ =	swait.ge [sflag:s30], $0x4000  }
0x85: {  	[sflag:s30] =	ssyncset.done $0x0  }
0x86: {  	[sflag:s30] =	ssyncadd.s32 $0xFFFFC000  }
0x87: {  	_ =	swait.ge [sflag:s21], $0x100  }
0x88: {  	[sflag:s21] =	ssyncset.done $0x0  }
0x89: {  	[sflag:s21] =	ssyncadd.s32 $0xFFFFFF00  }
0x8a: {  	_ =	swait.ge [sflag:s24], $0x100  }
0x8b: {  	s1 =	sadd.s32 $0x1, s1;
	[sflag:s24] =	ssyncset.done $0x0  }
0x8c: {  	p0 =	sne.s32 s1, s14;
	[sflag:s24] =	ssyncadd.s32 $0xFFFFFF00  }
.Ltmp1:
0x8d: {  	[bflag:$0x0] =	sbarrier.arrive $0xFFFF;
	(pc) =	sbr.rel @p0 .LBB2_1-.Ltmp1, $4  }
0x8e: {  	[hbm:s13], [sflag:s7] =	dma.local [spmem:s16], $0x2780  }
0x8f: {  	_ =	swait.ge [sflag:s17], $0x2780  }
0x90: {  	[sflag:s17] =	ssyncset.done $0x0  }
0x91: {  	[sflag:s17] =	ssyncadd.s32 $0xFFFFD880  }
0x92: {  	_ =	sfence.sel $0x180000  }
0x93: {  	[bflag:$0x0] =	sbarrier.arrive $0xFFFF  }
0x94: {  	_ =	strace $0x90000047  }
0x95: {  	s0 =	stileid.u32;
	[bflag:$0x2] =	sbarrier.arrive $0xFFFF  }
0x96: {  	p0 =	sne.s32 s0, $0x0;
	s0 =	rddreg [dreg:$0x3]  }
0x97: {  	s0 =	sadd.s32 @!p0 $0x100000, s0  }
0x98: {  	[sflag:s0] =	ssyncadd.tile.s32 @!p0 $0x1;
	_ =	shalt  }
.Lfunc_end2:
_tile_overlayer_lowered:
.L_overlay_start_2:
0x99: {  	(tag) =	ssettag $0x2  }
0x9a: {  	s0 =	rddreg [dreg:$0x0];
	s2 =	stileid.u32  }
0x9b: {  	s1 =	rddreg [dreg:$0x1];
	p0 =	sne.s32 s2, $0x0  }
0x9c: {  	s3 =	rddreg [dreg:$0x2];
	[bflag:$0x3] =	sbarrier.arrive $0xFFFF;
	s2 =	simm.s32 @!p0 $0x1C07  }
0x9d: {  	[timem:s3], [sflag:s2] =	dma.local @!p0 [hbm:s0], s1  }
0x9e: {  	s0 =	simm.s32 @!p0 $0x7  }
0x9f: {  	_ =	swait.ge @!p0 [sflag:s0], s1  }
0xa0: {  	s1 =	ssub.s32 @!p0 $0x0, s1;
	[sflag:s0] =	ssyncset.done @!p0 $0x0  }
0xa1: {  	[sflag:s0] =	ssyncadd.s32 @!p0 s1  }
0xa2: {  	[bflag:$0x3] =	sbarrier.arrive $0xFFFF  }
0xa3: {  	_ =	shalt  }

</sc_bundles>
